<compile_context>
chip_gen: v7x
topology: tpu7x:2x2x1
jax: 0.10.2.dev20260603
libtpu: 0.0.44.dev20260713+nightly
codegen_flags: <defaults>
</compile_context>

<pallas_src>
import functools

import jax
import jax.numpy as jnp
from jax.experimental import pallas as pl
from jax.experimental.pallas import tpu as pltpu
from jax.experimental.pallas import tpu_sc as plsc

_VS = 32
_NB = _VS * _VS * _VS
_B = 16
_N = 262144
_R = 48

_CHA = 65536
_KA = _N // _CHA
_CHB = 32768
_KB = _N // _CHB


def _minmax_kernel(x_ref, mn_ref, sc_ref, mx_acc):
    k = pl.program_id(0)
    x = x_ref[...]
    bmn = jnp.broadcast_to(jnp.min(x, axis=1, keepdims=True), (_R, 128))
    bmx = jnp.broadcast_to(jnp.max(x, axis=1, keepdims=True), (_R, 128))

    @pl.when(k == 0)
    def _():
        mn_ref[...] = bmn
        mx_acc[...] = bmx

    @pl.when(k > 0)
    def _():
        mn_ref[...] = jnp.minimum(mn_ref[...], bmn)
        mx_acc[...] = jnp.maximum(mx_acc[...], bmx)

    @pl.when(k == _KA - 1)
    def _():
        sc_ref[...] = jnp.float32(_VS - 1) / (mx_acc[...] - mn_ref[...])


def _lin_kernel(x_ref, mn_ref, sc_ref, out_ref):
    x = x_ref[...]
    mnb = jnp.broadcast_to(mn_ref[:, :1], (_R, _CHB))
    scb = jnp.broadcast_to(sc_ref[:, :1], (_R, _CHB))
    f = jnp.floor((x - mnb) * scb)
    lin = (f[0:16] * jnp.float32(_VS * _VS) + f[16:32] * jnp.float32(_VS)
           + f[32:48])
    out_ref[...] = lin.astype(jnp.int32)


_CH = 16384
_GROUPS = _CH // 16
_HALF = _N // 2
_NCK = _HALF // _CH


def _hist_body(lin_hbm, out_hbm, hist, mbuf, shared, buf0, buf1, sem0, sem1):
    c = jax.lax.axis_index("c")
    s = jax.lax.axis_index("s")
    batch = c * 8 + s // 2
    half = s % 2
    base = half * _HALF

    @plsc.parallel_loop(0, _NB // 16, 1, unroll=16)
    def _zero(i):
        hist[pl.ds(i * 16, 16)] = jnp.zeros((16,), jnp.int32)

    ones = jnp.ones((16,), jnp.int32)
    bufs = (buf0, buf1)
    sems = (sem0, sem1)
    descs = {0: pltpu.async_copy(lin_hbm.at[batch, pl.ds(base, _CH)],
                                 buf0, sem0)}
    for k in range(_NCK):
        descs.pop(k).wait()
        if k + 1 < _NCK:
            descs[k + 1] = pltpu.async_copy(
                lin_hbm.at[batch, pl.ds(base + (k + 1) * _CH, _CH)],
                bufs[(k + 1) % 2], sems[(k + 1) % 2])
        cur = bufs[k % 2]

        def gbody(g, cur=cur):
            v = cur[pl.ds(g * 16, 16)]
            plsc.addupdate_scatter(hist, [v], ones)
        plsc.parallel_loop(0, _GROUPS, 1, unroll=16)(gbody)

    @pl.when(half == 1)
    def _():
        pltpu.sync_copy(hist, shared.at[s // 2])

    plsc.subcore_barrier()

    @pl.when(half == 0)
    def _():
        pltpu.sync_copy(shared.at[s // 2], mbuf)

        @plsc.parallel_loop(0, _NB // 16, 1, unroll=8)
        def _madd(i):
            sl = pl.ds(i * 16, 16)
            hist[sl] = hist[sl] + mbuf[sl]
        pltpu.sync_copy(hist, out_hbm.at[batch])


@functools.lru_cache(maxsize=None)
def _make_hist_sc():
    return pl.kernel(
        _hist_body,
        out_type=jax.ShapeDtypeStruct((_B, _NB), jnp.int32),
        mesh=plsc.VectorSubcoreMesh(core_axis_name="c", subcore_axis_name="s"),
        compiler_params=pltpu.CompilerParams(needs_layout_passes=False),
        scratch_types=[
            pltpu.VMEM((_NB,), jnp.int32),
            pltpu.VMEM((_NB,), jnp.int32),
            pltpu.VMEM_SHARED((8, _NB), jnp.int32),
            pltpu.VMEM((_CH,), jnp.int32),
            pltpu.VMEM((_CH,), jnp.int32),
            pltpu.SemaphoreType.DMA,
            pltpu.SemaphoreType.DMA,
        ],
    )


def kernel(point_cloud):
    x2 = point_cloud.transpose(2, 0, 1).reshape(_R, _N)
    mn, sc = pl.pallas_call(
        _minmax_kernel,
        grid=(_KA,),
        in_specs=[pl.BlockSpec((_R, _CHA), lambda k: (0, k))],
        out_specs=[
            pl.BlockSpec((_R, 128), lambda k: (0, 0)),
            pl.BlockSpec((_R, 128), lambda k: (0, 0)),
        ],
        out_shape=[
            jax.ShapeDtypeStruct((_R, 128), jnp.float32),
            jax.ShapeDtypeStruct((_R, 128), jnp.float32),
        ],
        scratch_shapes=[pltpu.VMEM((_R, 128), jnp.float32)],
    )(x2)

    lin = pl.pallas_call(
        _lin_kernel,
        grid=(_KB,),
        in_specs=[
            pl.BlockSpec((_R, _CHB), lambda k: (0, k)),
            pl.BlockSpec((_R, 128), lambda k: (0, 0)),
            pl.BlockSpec((_R, 128), lambda k: (0, 0)),
        ],
        out_specs=pl.BlockSpec((_B, _CHB), lambda k: (0, k)),
        out_shape=jax.ShapeDtypeStruct((_B, _N), jnp.int32),
    )(x2, mn, sc)

    counts = _make_hist_sc()(lin)
    return lin, counts

# --- scband reference (transcript-rebuilt; emitter-appended) ---
"""Pipeline reference for scband-voxel-module-54365696033236 (READ-ONLY COPY).

The authoritative reference and input builder live on the scoring server;
editing this copy changes nothing except your own understanding.
"""

import jax, jax.numpy as jnp
import numpy as np

VOXEL_SIZE = 32

def setup_inputs(seed: int = 0) -> dict:
    key = jax.random.key(seed)
    point_cloud = jax.random.normal(key, (16, 262144, 3), dtype=jnp.float32)
    return {"point_cloud": point_cloud}

def reference(point_cloud):
    vs = VOXEL_SIZE
    # Per-batch min/max over points (matches torch.max/min along dim 0 of [N,3])
    xyz_max = jnp.max(point_cloud, axis=1, keepdims=True)
    xyz_min = jnp.min(point_cloud, axis=1, keepdims=True)
    # Continuous voxel coordinate, then truncate like python int() (coords are >= 0)
    idx_f = (point_cloud - xyz_min) / (xyz_max - xyz_min) * (vs - 1)
    idx = idx_f.astype(jnp.int32)
    # Linear voxel index: x*vs^2 + y*vs + z, same as set_voxel_value addressing
    lin = idx[..., 0] * (vs * vs) + idx[..., 1] * vs + idx[..., 2]
    # Dense representation of the ragged per-voxel point lists: per-voxel counts
    # (histogram over voxels), via scatter-add / bincount per batch element.
    counts = jax.vmap(lambda l: jnp.bincount(l, length=vs * vs * vs))(lin)
    return lin, counts

if __name__ == "__main__":
    import jax
    _d = setup_inputs()
    print(jax.jit(kernel)(*tuple(_d.values())))

</pallas_src>

<mosaic_0001>
#map = affine_map<(d0, d1) -> (0, 0)>
module attributes {stable_mosaic.version = 14 : i64} {
  func.func @_hist_body(%arg0: i32, %arg1: i32, %arg2: memref<16x262144xi32, #tpu.memory_space<hbm>>, %arg3: memref<16x32768xi32, #tpu.memory_space<hbm>>, %arg4: memref<32768xi32, #tpu.memory_space<vmem>>, %arg5: memref<32768xi32, #tpu.memory_space<vmem>>, %arg6: memref<8x32768xi32, #tpu.memory_space<vmem_shared>>, %arg7: memref<16384xi32, #tpu.memory_space<vmem>>, %arg8: memref<16384xi32, #tpu.memory_space<vmem>>, %arg9: memref<!tpu.dma_semaphore, #tpu.memory_space<semaphore_mem>>, %arg10: memref<!tpu.dma_semaphore, #tpu.memory_space<semaphore_mem>>) attributes {dimension_semantics = [#tpu.dimension_semantics<core_parallel>, #tpu.dimension_semantics<subcore_parallel>], iteration_bounds = array<i64: 2, 16>, scalar_prefetch = 0 : i64, scratch_operands = 7 : i64, tpu.core_type = #tpu.core_type<sc_vector_subcore>, window_params = [{transform_indices = #map}, {transform_indices = #map}]} {
    %mul3A = arith.constant 8 : i32
    %mul3A_0 = arith.muli %arg0, %mul3A : i32
    %jit3A = arith.constant 2 : i32
    %div3A = arith.divsi %arg1, %jit3A : i32
    %sign3A = arith.constant 0 : i32
    %sign3A_1 = arith.cmpi sgt, %arg1, %sign3A : i32
    %sign3A_2 = arith.extui %sign3A_1 : i1 to i32
    %sign3A_3 = arith.constant 0 : i32
    %sign3A_4 = arith.cmpi slt, %arg1, %sign3A_3 : i32
    %sign3A_5 = arith.extui %sign3A_4 : i1 to i32
    %sign3A_6 = arith.subi %sign3A_2, %sign3A_5 : i32
    %sign3A_7 = arith.constant 0 : i32
    %sign3A_8 = arith.cmpi sgt, %jit3A, %sign3A_7 : i32
    %sign3A_9 = arith.extui %sign3A_8 : i1 to i32
    %sign3A_10 = arith.constant 0 : i32
    %sign3A_11 = arith.cmpi slt, %jit3A, %sign3A_10 : i32
    %sign3A_12 = arith.extui %sign3A_11 : i1 to i32
    %sign3A_13 = arith.subi %sign3A_9, %sign3A_12 : i32
    %ne3A = arith.cmpi ne, %sign3A_6, %sign3A_13 : i32
    %rem3A = arith.remsi %arg1, %jit3A : i32
    %ne3A_14 = arith.constant 0 : i32
    %ne3A_15 = arith.cmpi ne, %rem3A, %ne3A_14 : i32
    %and3A = arith.andi %ne3A, %ne3A_15 : i1
    %sub3A = arith.constant 1 : i32
    %sub3A_16 = arith.subi %div3A, %sub3A : i32
    %select_n3A = arith.select %and3A, %sub3A_16, %div3A : i32
    %add3A = arith.addi %mul3A_0, %select_n3A : i32
    %jit3A_17 = arith.constant 2 : i32
    %eq3A = arith.constant 0 : i32
    %eq3A_18 = arith.cmpi eq, %jit3A_17, %eq3A : i32
    %jit3A_19 = arith.constant 1 : i32
    %select_n3A_20 = arith.select %eq3A_18, %jit3A_19, %jit3A_17 : i32
    %rem3A_21 = arith.remsi %arg1, %select_n3A_20 : i32
    %ne3A_22 = arith.constant 0 : i32
    %ne3A_23 = arith.cmpi ne, %rem3A_21, %ne3A_22 : i32
    %lt3A = arith.constant 0 : i32
    %lt3A_24 = arith.cmpi slt, %rem3A_21, %lt3A : i32
    %lt3A_25 = arith.constant 0 : i32
    %lt3A_26 = arith.cmpi slt, %select_n3A_20, %lt3A_25 : i32
    %ne3A_27 = arith.xori %lt3A_24, %lt3A_26 : i1
    %and3A_28 = arith.andi %ne3A_27, %ne3A_23 : i1
    %add3A_29 = arith.addi %rem3A_21, %select_n3A_20 : i32
    %select_n3A_30 = arith.select %and3A_28, %add3A_29, %rem3A_21 : i32
    %mul3A_31 = arith.constant 131072 : i32
    %mul3A_32 = arith.muli %select_n3A_30, %mul3A_31 : i32
    %parallel_loop3A = arith.constant 0 : i32
    %parallel_loop3A_33 = arith.constant 2048 : i32
    %parallel_loop3A_34 = arith.constant 1 : i32
    scf.for %parallel_loop3A_144 = %parallel_loop3A to %parallel_loop3A_33 step %parallel_loop3A_34  : i32 {
      %parallel_loop3A_145 = arith.constant 0 : i32
      %parallel_loop3A_146 = vector.broadcast %parallel_loop3A_145 : i32 to vector<16xi32>
      %parallel_loop3A_147 = arith.constant 16 : i32
      %parallel_loop3A_148 = arith.muli %parallel_loop3A_144, %parallel_loop3A_147 : i32
      %parallel_loop3A_149 = arith.index_cast %parallel_loop3A_148 : i32 to index
      %parallel_loop3A_150 = tpu.vector_load %arg4[%parallel_loop3A_149] {strides = array<i32>} : memref<32768xi32, #tpu.memory_space<vmem>>, vector<16xi32>,
      tpu.vector_store %arg4[%parallel_loop3A_149], %parallel_loop3A_146 {strides = array<i32>} : memref<32768xi32, #tpu.memory_space<vmem>>, vector<16xi32>,
    } {sc.loop_unroll_factor = 16 : i64, sc.parallel_access}
    %broadcast_in_dim3A = arith.constant 1 : i32
    %broadcast_in_dim3A_35 = vector.broadcast %broadcast_in_dim3A : i32 to vector<16xi32>
    %dma_start3A = tpu.memref_slice %arg2[%add3A, %mul3A_32] : memref<16x262144xi32, #tpu.memory_space<hbm>> -> memref<1x16384xi32, #tpu.memory_space<hbm>>
    %dma_start3A_36 = tpu.memref_squeeze %dma_start3A : memref<1x16384xi32, #tpu.memory_space<hbm>> -> memref<16384xi32, #tpu.memory_space<hbm>>
    %dma_start3A_37 = tpu.memref_slice %arg2[%add3A, %mul3A_32] : memref<16x262144xi32, #tpu.memory_space<hbm>> -> memref<1x16384xi32, #tpu.memory_space<hbm>>
    %dma_start3A_38 = tpu.memref_squeeze %dma_start3A_37 : memref<1x16384xi32, #tpu.memory_space<hbm>> -> memref<16384xi32, #tpu.memory_space<hbm>>
    tpu.enqueue_dma source(%dma_start3A_38 : memref<16384xi32, #tpu.memory_space<hbm>>) target(%arg7 : memref<16384xi32, #tpu.memory_space<vmem>>) target_semaphore(%arg9 : memref<!tpu.dma_semaphore, #tpu.memory_space<semaphore_mem>>)
    %dma_wait3A = tpu.memref_slice %arg2[%add3A, %mul3A_32] : memref<16x262144xi32, #tpu.memory_space<hbm>> -> memref<1x16384xi32, #tpu.memory_space<hbm>>
    %dma_wait3A_39 = tpu.memref_squeeze %dma_wait3A : memref<1x16384xi32, #tpu.memory_space<hbm>> -> memref<16384xi32, #tpu.memory_space<hbm>>
    %dma_wait3A_40 = tpu.memref_slice %arg2[%add3A, %mul3A_32] : memref<16x262144xi32, #tpu.memory_space<hbm>> -> memref<1x16384xi32, #tpu.memory_space<hbm>>
    %dma_wait3A_41 = tpu.memref_squeeze %dma_wait3A_40 : memref<1x16384xi32, #tpu.memory_space<hbm>> -> memref<16384xi32, #tpu.memory_space<hbm>>
    tpu.wait_dma2 semaphore(%arg9 : memref<!tpu.dma_semaphore, #tpu.memory_space<semaphore_mem>>) src(%dma_wait3A_41 : memref<16384xi32, #tpu.memory_space<hbm>>) dst(%arg7 : memref<16384xi32, #tpu.memory_space<vmem>>)
    %add3A_42 = arith.constant 16384 : i32
    %add3A_43 = arith.addi %mul3A_32, %add3A_42 : i32
    %dma_start3A_44 = tpu.memref_slice %arg2[%add3A, %add3A_43] : memref<16x262144xi32, #tpu.memory_space<hbm>> -> memref<1x16384xi32, #tpu.memory_space<hbm>>
    %dma_start3A_45 = tpu.memref_squeeze %dma_start3A_44 : memref<1x16384xi32, #tpu.memory_space<hbm>> -> memref<16384xi32, #tpu.memory_space<hbm>>
    %dma_start3A_46 = tpu.memref_slice %arg2[%add3A, %add3A_43] : memref<16x262144xi32, #tpu.memory_space<hbm>> -> memref<1x16384xi32, #tpu.memory_space<hbm>>
    %dma_start3A_47 = tpu.memref_squeeze %dma_start3A_46 : memref<1x16384xi32, #tpu.memory_space<hbm>> -> memref<16384xi32, #tpu.memory_space<hbm>>
    tpu.enqueue_dma source(%dma_start3A_47 : memref<16384xi32, #tpu.memory_space<hbm>>) target(%arg8 : memref<16384xi32, #tpu.memory_space<vmem>>) target_semaphore(%arg10 : memref<!tpu.dma_semaphore, #tpu.memory_space<semaphore_mem>>)
    %parallel_loop3A_48 = arith.constant 0 : i32
    %parallel_loop3A_49 = arith.constant 1024 : i32
    %parallel_loop3A_50 = arith.constant 1 : i32
    scf.for %parallel_loop3A_144 = %parallel_loop3A_48 to %parallel_loop3A_49 step %parallel_loop3A_50  : i32 {
      %parallel_loop3A_145 = arith.constant 16 : i32
      %parallel_loop3A_146 = arith.muli %parallel_loop3A_144, %parallel_loop3A_145 : i32
      %parallel_loop3A_147 = arith.index_cast %parallel_loop3A_146 : i32 to index
      %parallel_loop3A_148 = tpu.vector_load %arg7[%parallel_loop3A_147] {strides = array<i32>} : memref<16384xi32, #tpu.memory_space<vmem>>, vector<16xi32>,
      tpu.vector_store_idx %arg4[%parallel_loop3A_148], %broadcast_in_dim3A_35 {add = true} : memref<32768xi32, #tpu.memory_space<vmem>>[vector<16xi32>], vector<16xi32>,
    } {sc.loop_unroll_factor = 16 : i64, sc.parallel_access}
    %dma_wait3A_51 = tpu.memref_slice %arg2[%add3A, %add3A_43] : memref<16x262144xi32, #tpu.memory_space<hbm>> -> memref<1x16384xi32, #tpu.memory_space<hbm>>
    %dma_wait3A_52 = tpu.memref_squeeze %dma_wait3A_51 : memref<1x16384xi32, #tpu.memory_space<hbm>> -> memref<16384xi32, #tpu.memory_space<hbm>>
    %dma_wait3A_53 = tpu.memref_slice %arg2[%add3A, %add3A_43] : memref<16x262144xi32, #tpu.memory_space<hbm>> -> memref<1x16384xi32, #tpu.memory_space<hbm>>
    %dma_wait3A_54 = tpu.memref_squeeze %dma_wait3A_53 : memref<1x16384xi32, #tpu.memory_space<hbm>> -> memref<16384xi32, #tpu.memory_space<hbm>>
    tpu.wait_dma2 semaphore(%arg10 : memref<!tpu.dma_semaphore, #tpu.memory_space<semaphore_mem>>) src(%dma_wait3A_54 : memref<16384xi32, #tpu.memory_space<hbm>>) dst(%arg8 : memref<16384xi32, #tpu.memory_space<vmem>>)
    %add3A_55 = arith.constant 32768 : i32
    %add3A_56 = arith.addi %mul3A_32, %add3A_55 : i32
    %dma_start3A_57 = tpu.memref_slice %arg2[%add3A, %add3A_56] : memref<16x262144xi32, #tpu.memory_space<hbm>> -> memref<1x16384xi32, #tpu.memory_space<hbm>>
    %dma_start3A_58 = tpu.memref_squeeze %dma_start3A_57 : memref<1x16384xi32, #tpu.memory_space<hbm>> -> memref<16384xi32, #tpu.memory_space<hbm>>
    %dma_start3A_59 = tpu.memref_slice %arg2[%add3A, %add3A_56] : memref<16x262144xi32, #tpu.memory_space<hbm>> -> memref<1x16384xi32, #tpu.memory_space<hbm>>
    %dma_start3A_60 = tpu.memref_squeeze %dma_start3A_59 : memref<1x16384xi32, #tpu.memory_space<hbm>> -> memref<16384xi32, #tpu.memory_space<hbm>>
    tpu.enqueue_dma source(%dma_start3A_60 : memref<16384xi32, #tpu.memory_space<hbm>>) target(%arg7 : memref<16384xi32, #tpu.memory_space<vmem>>) target_semaphore(%arg9 : memref<!tpu.dma_semaphore, #tpu.memory_space<semaphore_mem>>)
    %parallel_loop3A_61 = arith.constant 0 : i32
    %parallel_loop3A_62 = arith.constant 1024 : i32
    %parallel_loop3A_63 = arith.constant 1 : i32
    scf.for %parallel_loop3A_144 = %parallel_loop3A_61 to %parallel_loop3A_62 step %parallel_loop3A_63  : i32 {
      %parallel_loop3A_145 = arith.constant 16 : i32
      %parallel_loop3A_146 = arith.muli %parallel_loop3A_144, %parallel_loop3A_145 : i32
      %parallel_loop3A_147 = arith.index_cast %parallel_loop3A_146 : i32 to index
      %parallel_loop3A_148 = tpu.vector_load %arg8[%parallel_loop3A_147] {strides = array<i32>} : memref<16384xi32, #tpu.memory_space<vmem>>, vector<16xi32>,
      tpu.vector_store_idx %arg4[%parallel_loop3A_148], %broadcast_in_dim3A_35 {add = true} : memref<32768xi32, #tpu.memory_space<vmem>>[vector<16xi32>], vector<16xi32>,
    } {sc.loop_unroll_factor = 16 : i64, sc.parallel_access}
    %dma_wait3A_64 = tpu.memref_slice %arg2[%add3A, %add3A_56] : memref<16x262144xi32, #tpu.memory_space<hbm>> -> memref<1x16384xi32, #tpu.memory_space<hbm>>
    %dma_wait3A_65 = tpu.memref_squeeze %dma_wait3A_64 : memref<1x16384xi32, #tpu.memory_space<hbm>> -> memref<16384xi32, #tpu.memory_space<hbm>>
    %dma_wait3A_66 = tpu.memref_slice %arg2[%add3A, %add3A_56] : memref<16x262144xi32, #tpu.memory_space<hbm>> -> memref<1x16384xi32, #tpu.memory_space<hbm>>
    %dma_wait3A_67 = tpu.memref_squeeze %dma_wait3A_66 : memref<1x16384xi32, #tpu.memory_space<hbm>> -> memref<16384xi32, #tpu.memory_space<hbm>>
    tpu.wait_dma2 semaphore(%arg9 : memref<!tpu.dma_semaphore, #tpu.memory_space<semaphore_mem>>) src(%dma_wait3A_67 : memref<16384xi32, #tpu.memory_space<hbm>>) dst(%arg7 : memref<16384xi32, #tpu.memory_space<vmem>>)
    %add3A_68 = arith.constant 49152 : i32
    %add3A_69 = arith.addi %mul3A_32, %add3A_68 : i32
    %dma_start3A_70 = tpu.memref_slice %arg2[%add3A, %add3A_69] : memref<16x262144xi32, #tpu.memory_space<hbm>> -> memref<1x16384xi32, #tpu.memory_space<hbm>>
    %dma_start3A_71 = tpu.memref_squeeze %dma_start3A_70 : memref<1x16384xi32, #tpu.memory_space<hbm>> -> memref<16384xi32, #tpu.memory_space<hbm>>
    %dma_start3A_72 = tpu.memref_slice %arg2[%add3A, %add3A_69] : memref<16x262144xi32, #tpu.memory_space<hbm>> -> memref<1x16384xi32, #tpu.memory_space<hbm>>
    %dma_start3A_73 = tpu.memref_squeeze %dma_start3A_72 : memref<1x16384xi32, #tpu.memory_space<hbm>> -> memref<16384xi32, #tpu.memory_space<hbm>>
    tpu.enqueue_dma source(%dma_start3A_73 : memref<16384xi32, #tpu.memory_space<hbm>>) target(%arg8 : memref<16384xi32, #tpu.memory_space<vmem>>) target_semaphore(%arg10 : memref<!tpu.dma_semaphore, #tpu.memory_space<semaphore_mem>>)
    %parallel_loop3A_74 = arith.constant 0 : i32
    %parallel_loop3A_75 = arith.constant 1024 : i32
    %parallel_loop3A_76 = arith.constant 1 : i32
    scf.for %parallel_loop3A_144 = %parallel_loop3A_74 to %parallel_loop3A_75 step %parallel_loop3A_76  : i32 {
      %parallel_loop3A_145 = arith.constant 16 : i32
      %parallel_loop3A_146 = arith.muli %parallel_loop3A_144, %parallel_loop3A_145 : i32
      %parallel_loop3A_147 = arith.index_cast %parallel_loop3A_146 : i32 to index
      %parallel_loop3A_148 = tpu.vector_load %arg7[%parallel_loop3A_147] {strides = array<i32>} : memref<16384xi32, #tpu.memory_space<vmem>>, vector<16xi32>,
      tpu.vector_store_idx %arg4[%parallel_loop3A_148], %broadcast_in_dim3A_35 {add = true} : memref<32768xi32, #tpu.memory_space<vmem>>[vector<16xi32>], vector<16xi32>,
    } {sc.loop_unroll_factor = 16 : i64, sc.parallel_access}
    %dma_wait3A_77 = tpu.memref_slice %arg2[%add3A, %add3A_69] : memref<16x262144xi32, #tpu.memory_space<hbm>> -> memref<1x16384xi32, #tpu.memory_space<hbm>>
    %dma_wait3A_78 = tpu.memref_squeeze %dma_wait3A_77 : memref<1x16384xi32, #tpu.memory_space<hbm>> -> memref<16384xi32, #tpu.memory_space<hbm>>
    %dma_wait3A_79 = tpu.memref_slice %arg2[%add3A, %add3A_69] : memref<16x262144xi32, #tpu.memory_space<hbm>> -> memref<1x16384xi32, #tpu.memory_space<hbm>>
    %dma_wait3A_80 = tpu.memref_squeeze %dma_wait3A_79 : memref<1x16384xi32, #tpu.memory_space<hbm>> -> memref<16384xi32, #tpu.memory_space<hbm>>
    tpu.wait_dma2 semaphore(%arg10 : memref<!tpu.dma_semaphore, #tpu.memory_space<semaphore_mem>>) src(%dma_wait3A_80 : memref<16384xi32, #tpu.memory_space<hbm>>) dst(%arg8 : memref<16384xi32, #tpu.memory_space<vmem>>)
    %add3A_81 = arith.constant 65536 : i32
    %add3A_82 = arith.addi %mul3A_32, %add3A_81 : i32
    %dma_start3A_83 = tpu.memref_slice %arg2[%add3A, %add3A_82] : memref<16x262144xi32, #tpu.memory_space<hbm>> -> memref<1x16384xi32, #tpu.memory_space<hbm>>
    %dma_start3A_84 = tpu.memref_squeeze %dma_start3A_83 : memref<1x16384xi32, #tpu.memory_space<hbm>> -> memref<16384xi32, #tpu.memory_space<hbm>>
    %dma_start3A_85 = tpu.memref_slice %arg2[%add3A, %add3A_82] : memref<16x262144xi32, #tpu.memory_space<hbm>> -> memref<1x16384xi32, #tpu.memory_space<hbm>>
    %dma_start3A_86 = tpu.memref_squeeze %dma_start3A_85 : memref<1x16384xi32, #tpu.memory_space<hbm>> -> memref<16384xi32, #tpu.memory_space<hbm>>
    tpu.enqueue_dma source(%dma_start3A_86 : memref<16384xi32, #tpu.memory_space<hbm>>) target(%arg7 : memref<16384xi32, #tpu.memory_space<vmem>>) target_semaphore(%arg9 : memref<!tpu.dma_semaphore, #tpu.memory_space<semaphore_mem>>)
    %parallel_loop3A_87 = arith.constant 0 : i32
    %parallel_loop3A_88 = arith.constant 1024 : i32
    %parallel_loop3A_89 = arith.constant 1 : i32
    scf.for %parallel_loop3A_144 = %parallel_loop3A_87 to %parallel_loop3A_88 step %parallel_loop3A_89  : i32 {
      %parallel_loop3A_145 = arith.constant 16 : i32
      %parallel_loop3A_146 = arith.muli %parallel_loop3A_144, %parallel_loop3A_145 : i32
      %parallel_loop3A_147 = arith.index_cast %parallel_loop3A_146 : i32 to index
      %parallel_loop3A_148 = tpu.vector_load %arg8[%parallel_loop3A_147] {strides = array<i32>} : memref<16384xi32, #tpu.memory_space<vmem>>, vector<16xi32>,
      tpu.vector_store_idx %arg4[%parallel_loop3A_148], %broadcast_in_dim3A_35 {add = true} : memref<32768xi32, #tpu.memory_space<vmem>>[vector<16xi32>], vector<16xi32>,
    } {sc.loop_unroll_factor = 16 : i64, sc.parallel_access}
    %dma_wait3A_90 = tpu.memref_slice %arg2[%add3A, %add3A_82] : memref<16x262144xi32, #tpu.memory_space<hbm>> -> memref<1x16384xi32, #tpu.memory_space<hbm>>
    %dma_wait3A_91 = tpu.memref_squeeze %dma_wait3A_90 : memref<1x16384xi32, #tpu.memory_space<hbm>> -> memref<16384xi32, #tpu.memory_space<hbm>>
    %dma_wait3A_92 = tpu.memref_slice %arg2[%add3A, %add3A_82] : memref<16x262144xi32, #tpu.memory_space<hbm>> -> memref<1x16384xi32, #tpu.memory_space<hbm>>
    %dma_wait3A_93 = tpu.memref_squeeze %dma_wait3A_92 : memref<1x16384xi32, #tpu.memory_space<hbm>> -> memref<16384xi32, #tpu.memory_space<hbm>>
    tpu.wait_dma2 semaphore(%arg9 : memref<!tpu.dma_semaphore, #tpu.memory_space<semaphore_mem>>) src(%dma_wait3A_93 : memref<16384xi32, #tpu.memory_space<hbm>>) dst(%arg7 : memref<16384xi32, #tpu.memory_space<vmem>>)
    %add3A_94 = arith.constant 81920 : i32
    %add3A_95 = arith.addi %mul3A_32, %add3A_94 : i32
    %dma_start3A_96 = tpu.memref_slice %arg2[%add3A, %add3A_95] : memref<16x262144xi32, #tpu.memory_space<hbm>> -> memref<1x16384xi32, #tpu.memory_space<hbm>>
    %dma_start3A_97 = tpu.memref_squeeze %dma_start3A_96 : memref<1x16384xi32, #tpu.memory_space<hbm>> -> memref<16384xi32, #tpu.memory_space<hbm>>
    %dma_start3A_98 = tpu.memref_slice %arg2[%add3A, %add3A_95] : memref<16x262144xi32, #tpu.memory_space<hbm>> -> memref<1x16384xi32, #tpu.memory_space<hbm>>
    %dma_start3A_99 = tpu.memref_squeeze %dma_start3A_98 : memref<1x16384xi32, #tpu.memory_space<hbm>> -> memref<16384xi32, #tpu.memory_space<hbm>>
    tpu.enqueue_dma source(%dma_start3A_99 : memref<16384xi32, #tpu.memory_space<hbm>>) target(%arg8 : memref<16384xi32, #tpu.memory_space<vmem>>) target_semaphore(%arg10 : memref<!tpu.dma_semaphore, #tpu.memory_space<semaphore_mem>>)
    %parallel_loop3A_100 = arith.constant 0 : i32
    %parallel_loop3A_101 = arith.constant 1024 : i32
    %parallel_loop3A_102 = arith.constant 1 : i32
    scf.for %parallel_loop3A_144 = %parallel_loop3A_100 to %parallel_loop3A_101 step %parallel_loop3A_102  : i32 {
      %parallel_loop3A_145 = arith.constant 16 : i32
      %parallel_loop3A_146 = arith.muli %parallel_loop3A_144, %parallel_loop3A_145 : i32
      %parallel_loop3A_147 = arith.index_cast %parallel_loop3A_146 : i32 to index
      %parallel_loop3A_148 = tpu.vector_load %arg7[%parallel_loop3A_147] {strides = array<i32>} : memref<16384xi32, #tpu.memory_space<vmem>>, vector<16xi32>,
      tpu.vector_store_idx %arg4[%parallel_loop3A_148], %broadcast_in_dim3A_35 {add = true} : memref<32768xi32, #tpu.memory_space<vmem>>[vector<16xi32>], vector<16xi32>,
    } {sc.loop_unroll_factor = 16 : i64, sc.parallel_access}
    %dma_wait3A_103 = tpu.memref_slice %arg2[%add3A, %add3A_95] : memref<16x262144xi32, #tpu.memory_space<hbm>> -> memref<1x16384xi32, #tpu.memory_space<hbm>>
    %dma_wait3A_104 = tpu.memref_squeeze %dma_wait3A_103 : memref<1x16384xi32, #tpu.memory_space<hbm>> -> memref<16384xi32, #tpu.memory_space<hbm>>
    %dma_wait3A_105 = tpu.memref_slice %arg2[%add3A, %add3A_95] : memref<16x262144xi32, #tpu.memory_space<hbm>> -> memref<1x16384xi32, #tpu.memory_space<hbm>>
    %dma_wait3A_106 = tpu.memref_squeeze %dma_wait3A_105 : memref<1x16384xi32, #tpu.memory_space<hbm>> -> memref<16384xi32, #tpu.memory_space<hbm>>
    tpu.wait_dma2 semaphore(%arg10 : memref<!tpu.dma_semaphore, #tpu.memory_space<semaphore_mem>>) src(%dma_wait3A_106 : memref<16384xi32, #tpu.memory_space<hbm>>) dst(%arg8 : memref<16384xi32, #tpu.memory_space<vmem>>)
    %add3A_107 = arith.constant 98304 : i32
    %add3A_108 = arith.addi %mul3A_32, %add3A_107 : i32
    %dma_start3A_109 = tpu.memref_slice %arg2[%add3A, %add3A_108] : memref<16x262144xi32, #tpu.memory_space<hbm>> -> memref<1x16384xi32, #tpu.memory_space<hbm>>
    %dma_start3A_110 = tpu.memref_squeeze %dma_start3A_109 : memref<1x16384xi32, #tpu.memory_space<hbm>> -> memref<16384xi32, #tpu.memory_space<hbm>>
    %dma_start3A_111 = tpu.memref_slice %arg2[%add3A, %add3A_108] : memref<16x262144xi32, #tpu.memory_space<hbm>> -> memref<1x16384xi32, #tpu.memory_space<hbm>>
    %dma_start3A_112 = tpu.memref_squeeze %dma_start3A_111 : memref<1x16384xi32, #tpu.memory_space<hbm>> -> memref<16384xi32, #tpu.memory_space<hbm>>
    tpu.enqueue_dma source(%dma_start3A_112 : memref<16384xi32, #tpu.memory_space<hbm>>) target(%arg7 : memref<16384xi32, #tpu.memory_space<vmem>>) target_semaphore(%arg9 : memref<!tpu.dma_semaphore, #tpu.memory_space<semaphore_mem>>)
    %parallel_loop3A_113 = arith.constant 0 : i32
    %parallel_loop3A_114 = arith.constant 1024 : i32
    %parallel_loop3A_115 = arith.constant 1 : i32
    scf.for %parallel_loop3A_144 = %parallel_loop3A_113 to %parallel_loop3A_114 step %parallel_loop3A_115  : i32 {
      %parallel_loop3A_145 = arith.constant 16 : i32
      %parallel_loop3A_146 = arith.muli %parallel_loop3A_144, %parallel_loop3A_145 : i32
      %parallel_loop3A_147 = arith.index_cast %parallel_loop3A_146 : i32 to index
      %parallel_loop3A_148 = tpu.vector_load %arg8[%parallel_loop3A_147] {strides = array<i32>} : memref<16384xi32, #tpu.memory_space<vmem>>, vector<16xi32>,
      tpu.vector_store_idx %arg4[%parallel_loop3A_148], %broadcast_in_dim3A_35 {add = true} : memref<32768xi32, #tpu.memory_space<vmem>>[vector<16xi32>], vector<16xi32>,
    } {sc.loop_unroll_factor = 16 : i64, sc.parallel_access}
    %dma_wait3A_116 = tpu.memref_slice %arg2[%add3A, %add3A_108] : memref<16x262144xi32, #tpu.memory_space<hbm>> -> memref<1x16384xi32, #tpu.memory_space<hbm>>
    %dma_wait3A_117 = tpu.memref_squeeze %dma_wait3A_116 : memref<1x16384xi32, #tpu.memory_space<hbm>> -> memref<16384xi32, #tpu.memory_space<hbm>>
    %dma_wait3A_118 = tpu.memref_slice %arg2[%add3A, %add3A_108] : memref<16x262144xi32, #tpu.memory_space<hbm>> -> memref<1x16384xi32, #tpu.memory_space<hbm>>
    %dma_wait3A_119 = tpu.memref_squeeze %dma_wait3A_118 : memref<1x16384xi32, #tpu.memory_space<hbm>> -> memref<16384xi32, #tpu.memory_space<hbm>>
    tpu.wait_dma2 semaphore(%arg9 : memref<!tpu.dma_semaphore, #tpu.memory_space<semaphore_mem>>) src(%dma_wait3A_119 : memref<16384xi32, #tpu.memory_space<hbm>>) dst(%arg7 : memref<16384xi32, #tpu.memory_space<vmem>>)
    %add3A_120 = arith.constant 114688 : i32
    %add3A_121 = arith.addi %mul3A_32, %add3A_120 : i32
    %dma_start3A_122 = tpu.memref_slice %arg2[%add3A, %add3A_121] : memref<16x262144xi32, #tpu.memory_space<hbm>> -> memref<1x16384xi32, #tpu.memory_space<hbm>>
    %dma_start3A_123 = tpu.memref_squeeze %dma_start3A_122 : memref<1x16384xi32, #tpu.memory_space<hbm>> -> memref<16384xi32, #tpu.memory_space<hbm>>
    %dma_start3A_124 = tpu.memref_slice %arg2[%add3A, %add3A_121] : memref<16x262144xi32, #tpu.memory_space<hbm>> -> memref<1x16384xi32, #tpu.memory_space<hbm>>
    %dma_start3A_125 = tpu.memref_squeeze %dma_start3A_124 : memref<1x16384xi32, #tpu.memory_space<hbm>> -> memref<16384xi32, #tpu.memory_space<hbm>>
    tpu.enqueue_dma source(%dma_start3A_125 : memref<16384xi32, #tpu.memory_space<hbm>>) target(%arg8 : memref<16384xi32, #tpu.memory_space<vmem>>) target_semaphore(%arg10 : memref<!tpu.dma_semaphore, #tpu.memory_space<semaphore_mem>>)
    %parallel_loop3A_126 = arith.constant 0 : i32
    %parallel_loop3A_127 = arith.constant 1024 : i32
    %parallel_loop3A_128 = arith.constant 1 : i32
    scf.for %parallel_loop3A_144 = %parallel_loop3A_126 to %parallel_loop3A_127 step %parallel_loop3A_128  : i32 {
      %parallel_loop3A_145 = arith.constant 16 : i32
      %parallel_loop3A_146 = arith.muli %parallel_loop3A_144, %parallel_loop3A_145 : i32
      %parallel_loop3A_147 = arith.index_cast %parallel_loop3A_146 : i32 to index
      %parallel_loop3A_148 = tpu.vector_load %arg7[%parallel_loop3A_147] {strides = array<i32>} : memref<16384xi32, #tpu.memory_space<vmem>>, vector<16xi32>,
      tpu.vector_store_idx %arg4[%parallel_loop3A_148], %broadcast_in_dim3A_35 {add = true} : memref<32768xi32, #tpu.memory_space<vmem>>[vector<16xi32>], vector<16xi32>,
    } {sc.loop_unroll_factor = 16 : i64, sc.parallel_access}
    %dma_wait3A_129 = tpu.memref_slice %arg2[%add3A, %add3A_121] : memref<16x262144xi32, #tpu.memory_space<hbm>> -> memref<1x16384xi32, #tpu.memory_space<hbm>>
    %dma_wait3A_130 = tpu.memref_squeeze %dma_wait3A_129 : memref<1x16384xi32, #tpu.memory_space<hbm>> -> memref<16384xi32, #tpu.memory_space<hbm>>
    %dma_wait3A_131 = tpu.memref_slice %arg2[%add3A, %add3A_121] : memref<16x262144xi32, #tpu.memory_space<hbm>> -> memref<1x16384xi32, #tpu.memory_space<hbm>>
    %dma_wait3A_132 = tpu.memref_squeeze %dma_wait3A_131 : memref<1x16384xi32, #tpu.memory_space<hbm>> -> memref<16384xi32, #tpu.memory_space<hbm>>
    tpu.wait_dma2 semaphore(%arg10 : memref<!tpu.dma_semaphore, #tpu.memory_space<semaphore_mem>>) src(%dma_wait3A_132 : memref<16384xi32, #tpu.memory_space<hbm>>) dst(%arg8 : memref<16384xi32, #tpu.memory_space<vmem>>)
    %parallel_loop3A_133 = arith.constant 0 : i32
    %parallel_loop3A_134 = arith.constant 1024 : i32
    %parallel_loop3A_135 = arith.constant 1 : i32
    scf.for %parallel_loop3A_144 = %parallel_loop3A_133 to %parallel_loop3A_134 step %parallel_loop3A_135  : i32 {
      %parallel_loop3A_145 = arith.constant 16 : i32
      %parallel_loop3A_146 = arith.muli %parallel_loop3A_144, %parallel_loop3A_145 : i32
      %parallel_loop3A_147 = arith.index_cast %parallel_loop3A_146 : i32 to index
      %parallel_loop3A_148 = tpu.vector_load %arg8[%parallel_loop3A_147] {strides = array<i32>} : memref<16384xi32, #tpu.memory_space<vmem>>, vector<16xi32>,
      tpu.vector_store_idx %arg4[%parallel_loop3A_148], %broadcast_in_dim3A_35 {add = true} : memref<32768xi32, #tpu.memory_space<vmem>>[vector<16xi32>], vector<16xi32>,
    } {sc.loop_unroll_factor = 16 : i64, sc.parallel_access}
    %eq3A_136 = arith.constant 1 : i32
    %eq3A_137 = arith.cmpi eq, %select_n3A_30, %eq3A_136 : i32
    %convert_element_type3A = arith.extui %eq3A_137 : i1 to i32
    %cond3A = arith.constant 0 : i32
    %cond3A_138 = arith.cmpi ne, %convert_element_type3A, %cond3A : i32
    scf.if %cond3A_138 {
      %jit3A_144 = arith.constant 2 : i32
      %div3A_145 = arith.divsi %arg1, %jit3A_144 : i32
      %sign3A_146 = arith.constant 0 : i32
      %sign3A_147 = arith.cmpi sgt, %arg1, %sign3A_146 : i32
      %sign3A_148 = arith.extui %sign3A_147 : i1 to i32
      %sign3A_149 = arith.constant 0 : i32
      %sign3A_150 = arith.cmpi slt, %arg1, %sign3A_149 : i32
      %sign3A_151 = arith.extui %sign3A_150 : i1 to i32
      %sign3A_152 = arith.subi %sign3A_148, %sign3A_151 : i32
      %sign3A_153 = arith.constant 0 : i32
      %sign3A_154 = arith.cmpi sgt, %jit3A_144, %sign3A_153 : i32
      %sign3A_155 = arith.extui %sign3A_154 : i1 to i32
      %sign3A_156 = arith.constant 0 : i32
      %sign3A_157 = arith.cmpi slt, %jit3A_144, %sign3A_156 : i32
      %sign3A_158 = arith.extui %sign3A_157 : i1 to i32
      %sign3A_159 = arith.subi %sign3A_155, %sign3A_158 : i32
      %ne3A_160 = arith.cmpi ne, %sign3A_152, %sign3A_159 : i32
      %rem3A_161 = arith.remsi %arg1, %jit3A_144 : i32
      %ne3A_162 = arith.constant 0 : i32
      %ne3A_163 = arith.cmpi ne, %rem3A_161, %ne3A_162 : i32
      %and3A_164 = arith.andi %ne3A_160, %ne3A_163 : i1
      %sub3A_165 = arith.constant 1 : i32
      %sub3A_166 = arith.subi %div3A_145, %sub3A_165 : i32
      %select_n3A_167 = arith.select %and3A_164, %sub3A_166, %div3A_145 : i32
      "tpu.region"() ({
        %run_scoped3A = tpu.sem_alloc : memref<!tpu.dma_semaphore, #tpu.memory_space<semaphore_mem>>
        %dma_start3A_168 = arith.constant 0 : i32
        %dma_start3A_169 = tpu.memref_slice %arg6[%select_n3A_167, %dma_start3A_168] : memref<8x32768xi32, #tpu.memory_space<vmem_shared>> -> memref<1x32768xi32, #tpu.memory_space<vmem_shared>>
        %dma_start3A_170 = tpu.memref_squeeze %dma_start3A_169 : memref<1x32768xi32, #tpu.memory_space<vmem_shared>> -> memref<32768xi32, #tpu.memory_space<vmem_shared>>
        %dma_start3A_171 = arith.constant 0 : i32
        %dma_start3A_172 = tpu.memref_slice %arg6[%select_n3A_167, %dma_start3A_171] : memref<8x32768xi32, #tpu.memory_space<vmem_shared>> -> memref<1x32768xi32, #tpu.memory_space<vmem_shared>>
        %dma_start3A_173 = tpu.memref_squeeze %dma_start3A_172 : memref<1x32768xi32, #tpu.memory_space<vmem_shared>> -> memref<32768xi32, #tpu.memory_space<vmem_shared>>
        tpu.enqueue_dma source(%arg4 : memref<32768xi32, #tpu.memory_space<vmem>>) target(%dma_start3A_173 : memref<32768xi32, #tpu.memory_space<vmem_shared>>) target_semaphore(%run_scoped3A : memref<!tpu.dma_semaphore, #tpu.memory_space<semaphore_mem>>)
        %dma_wait3A_174 = arith.constant 0 : i32
        %dma_wait3A_175 = tpu.memref_slice %arg6[%select_n3A_167, %dma_wait3A_174] : memref<8x32768xi32, #tpu.memory_space<vmem_shared>> -> memref<1x32768xi32, #tpu.memory_space<vmem_shared>>
        %dma_wait3A_176 = tpu.memref_squeeze %dma_wait3A_175 : memref<1x32768xi32, #tpu.memory_space<vmem_shared>> -> memref<32768xi32, #tpu.memory_space<vmem_shared>>
        %dma_wait3A_177 = arith.constant 0 : i32
        %dma_wait3A_178 = tpu.memref_slice %arg6[%select_n3A_167, %dma_wait3A_177] : memref<8x32768xi32, #tpu.memory_space<vmem_shared>> -> memref<1x32768xi32, #tpu.memory_space<vmem_shared>>
        %dma_wait3A_179 = tpu.memref_squeeze %dma_wait3A_178 : memref<1x32768xi32, #tpu.memory_space<vmem_shared>> -> memref<32768xi32, #tpu.memory_space<vmem_shared>>
        tpu.wait_dma2 semaphore(%run_scoped3A : memref<!tpu.dma_semaphore, #tpu.memory_space<semaphore_mem>>) src(%arg4 : memref<32768xi32, #tpu.memory_space<vmem>>) dst(%dma_wait3A_179 : memref<32768xi32, #tpu.memory_space<vmem_shared>>)
        tpu.yield
      }) : () -> ()
    } else {
    }
    %barrier3A = arith.constant 0 : index
    tpu.barrier barrier_id(%barrier3A)
    %eq3A_139 = arith.constant 0 : i32
    %eq3A_140 = arith.cmpi eq, %select_n3A_30, %eq3A_139 : i32
    %convert_element_type3A_141 = arith.extui %eq3A_140 : i1 to i32
    %cond3A_142 = arith.constant 0 : i32
    %cond3A_143 = arith.cmpi ne, %convert_element_type3A_141, %cond3A_142 : i32
    scf.if %cond3A_143 {
      %jit3A_144 = arith.constant 2 : i32
      %div3A_145 = arith.divsi %arg1, %jit3A_144 : i32
      %sign3A_146 = arith.constant 0 : i32
      %sign3A_147 = arith.cmpi sgt, %arg1, %sign3A_146 : i32
      %sign3A_148 = arith.extui %sign3A_147 : i1 to i32
      %sign3A_149 = arith.constant 0 : i32
      %sign3A_150 = arith.cmpi slt, %arg1, %sign3A_149 : i32
      %sign3A_151 = arith.extui %sign3A_150 : i1 to i32
      %sign3A_152 = arith.subi %sign3A_148, %sign3A_151 : i32
      %sign3A_153 = arith.constant 0 : i32
      %sign3A_154 = arith.cmpi sgt, %jit3A_144, %sign3A_153 : i32
      %sign3A_155 = arith.extui %sign3A_154 : i1 to i32
      %sign3A_156 = arith.constant 0 : i32
      %sign3A_157 = arith.cmpi slt, %jit3A_144, %sign3A_156 : i32
      %sign3A_158 = arith.extui %sign3A_157 : i1 to i32
      %sign3A_159 = arith.subi %sign3A_155, %sign3A_158 : i32
      %ne3A_160 = arith.cmpi ne, %sign3A_152, %sign3A_159 : i32
      %rem3A_161 = arith.remsi %arg1, %jit3A_144 : i32
      %ne3A_162 = arith.constant 0 : i32
      %ne3A_163 = arith.cmpi ne, %rem3A_161, %ne3A_162 : i32
      %and3A_164 = arith.andi %ne3A_160, %ne3A_163 : i1
      %sub3A_165 = arith.constant 1 : i32
      %sub3A_166 = arith.subi %div3A_145, %sub3A_165 : i32
      %select_n3A_167 = arith.select %and3A_164, %sub3A_166, %div3A_145 : i32
      "tpu.region"() ({
        %run_scoped3A = tpu.sem_alloc : memref<!tpu.dma_semaphore, #tpu.memory_space<semaphore_mem>>
        %dma_start3A_171 = arith.constant 0 : i32
        %dma_start3A_172 = tpu.memref_slice %arg6[%select_n3A_167, %dma_start3A_171] : memref<8x32768xi32, #tpu.memory_space<vmem_shared>> -> memref<1x32768xi32, #tpu.memory_space<vmem_shared>>
        %dma_start3A_173 = tpu.memref_squeeze %dma_start3A_172 : memref<1x32768xi32, #tpu.memory_space<vmem_shared>> -> memref<32768xi32, #tpu.memory_space<vmem_shared>>
        %dma_start3A_174 = arith.constant 0 : i32
        %dma_start3A_175 = tpu.memref_slice %arg6[%select_n3A_167, %dma_start3A_174] : memref<8x32768xi32, #tpu.memory_space<vmem_shared>> -> memref<1x32768xi32, #tpu.memory_space<vmem_shared>>
        %dma_start3A_176 = tpu.memref_squeeze %dma_start3A_175 : memref<1x32768xi32, #tpu.memory_space<vmem_shared>> -> memref<32768xi32, #tpu.memory_space<vmem_shared>>
        tpu.enqueue_dma source(%dma_start3A_176 : memref<32768xi32, #tpu.memory_space<vmem_shared>>) target(%arg5 : memref<32768xi32, #tpu.memory_space<vmem>>) target_semaphore(%run_scoped3A : memref<!tpu.dma_semaphore, #tpu.memory_space<semaphore_mem>>)
        %dma_wait3A_177 = arith.constant 0 : i32
        %dma_wait3A_178 = tpu.memref_slice %arg6[%select_n3A_167, %dma_wait3A_177] : memref<8x32768xi32, #tpu.memory_space<vmem_shared>> -> memref<1x32768xi32, #tpu.memory_space<vmem_shared>>
        %dma_wait3A_179 = tpu.memref_squeeze %dma_wait3A_178 : memref<1x32768xi32, #tpu.memory_space<vmem_shared>> -> memref<32768xi32, #tpu.memory_space<vmem_shared>>
        %dma_wait3A_180 = arith.constant 0 : i32
        %dma_wait3A_181 = tpu.memref_slice %arg6[%select_n3A_167, %dma_wait3A_180] : memref<8x32768xi32, #tpu.memory_space<vmem_shared>> -> memref<1x32768xi32, #tpu.memory_space<vmem_shared>>
        %dma_wait3A_182 = tpu.memref_squeeze %dma_wait3A_181 : memref<1x32768xi32, #tpu.memory_space<vmem_shared>> -> memref<32768xi32, #tpu.memory_space<vmem_shared>>
        tpu.wait_dma2 semaphore(%run_scoped3A : memref<!tpu.dma_semaphore, #tpu.memory_space<semaphore_mem>>) src(%dma_wait3A_182 : memref<32768xi32, #tpu.memory_space<vmem_shared>>) dst(%arg5 : memref<32768xi32, #tpu.memory_space<vmem>>)
        tpu.yield
      }) : () -> ()
      %parallel_loop3A_168 = arith.constant 0 : i32
      %parallel_loop3A_169 = arith.constant 2048 : i32
      %parallel_loop3A_170 = arith.constant 1 : i32
      scf.for %parallel_loop3A_171 = %parallel_loop3A_168 to %parallel_loop3A_169 step %parallel_loop3A_170  : i32 {
        %parallel_loop3A_172 = arith.constant 16 : i32
        %parallel_loop3A_173 = arith.muli %parallel_loop3A_171, %parallel_loop3A_172 : i32
        %parallel_loop3A_174 = arith.index_cast %parallel_loop3A_173 : i32 to index
        %parallel_loop3A_175 = tpu.vector_load %arg4[%parallel_loop3A_174] {strides = array<i32>} : memref<32768xi32, #tpu.memory_space<vmem>>, vector<16xi32>,
        %parallel_loop3A_176 = arith.index_cast %parallel_loop3A_173 : i32 to index
        %parallel_loop3A_177 = tpu.vector_load %arg5[%parallel_loop3A_176] {strides = array<i32>} : memref<32768xi32, #tpu.memory_space<vmem>>, vector<16xi32>,
        %parallel_loop3A_178 = arith.addi %parallel_loop3A_175, %parallel_loop3A_177 : vector<16xi32>
        %parallel_loop3A_179 = arith.index_cast %parallel_loop3A_173 : i32 to index
        %parallel_loop3A_180 = tpu.vector_load %arg4[%parallel_loop3A_179] {strides = array<i32>} : memref<32768xi32, #tpu.memory_space<vmem>>, vector<16xi32>,
        tpu.vector_store %arg4[%parallel_loop3A_179], %parallel_loop3A_178 {strides = array<i32>} : memref<32768xi32, #tpu.memory_space<vmem>>, vector<16xi32>,
      } {sc.loop_unroll_factor = 8 : i64, sc.parallel_access}
      "tpu.region"() ({
        %run_scoped3A = tpu.sem_alloc : memref<!tpu.dma_semaphore, #tpu.memory_space<semaphore_mem>>
        %dma_start3A_171 = arith.constant 0 : i32
        %dma_start3A_172 = tpu.memref_slice %arg3[%add3A, %dma_start3A_171] : memref<16x32768xi32, #tpu.memory_space<hbm>> -> memref<1x32768xi32, #tpu.memory_space<hbm>>
        %dma_start3A_173 = tpu.memref_squeeze %dma_start3A_172 : memref<1x32768xi32, #tpu.memory_space<hbm>> -> memref<32768xi32, #tpu.memory_space<hbm>>
        %dma_start3A_174 = arith.constant 0 : i32
        %dma_start3A_175 = tpu.memref_slice %arg3[%add3A, %dma_start3A_174] : memref<16x32768xi32, #tpu.memory_space<hbm>> -> memref<1x32768xi32, #tpu.memory_space<hbm>>
        %dma_start3A_176 = tpu.memref_squeeze %dma_start3A_175 : memref<1x32768xi32, #tpu.memory_space<hbm>> -> memref<32768xi32, #tpu.memory_space<hbm>>
        tpu.enqueue_dma source(%arg4 : memref<32768xi32, #tpu.memory_space<vmem>>) target(%dma_start3A_176 : memref<32768xi32, #tpu.memory_space<hbm>>) target_semaphore(%run_scoped3A : memref<!tpu.dma_semaphore, #tpu.memory_space<semaphore_mem>>)
        %dma_wait3A_177 = arith.constant 0 : i32
        %dma_wait3A_178 = tpu.memref_slice %arg3[%add3A, %dma_wait3A_177] : memref<16x32768xi32, #tpu.memory_space<hbm>> -> memref<1x32768xi32, #tpu.memory_space<hbm>>
        %dma_wait3A_179 = tpu.memref_squeeze %dma_wait3A_178 : memref<1x32768xi32, #tpu.memory_space<hbm>> -> memref<32768xi32, #tpu.memory_space<hbm>>
        %dma_wait3A_180 = arith.constant 0 : i32
        %dma_wait3A_181 = tpu.memref_slice %arg3[%add3A, %dma_wait3A_180] : memref<16x32768xi32, #tpu.memory_space<hbm>> -> memref<1x32768xi32, #tpu.memory_space<hbm>>
        %dma_wait3A_182 = tpu.memref_squeeze %dma_wait3A_181 : memref<1x32768xi32, #tpu.memory_space<hbm>> -> memref<32768xi32, #tpu.memory_space<hbm>>
        tpu.wait_dma2 semaphore(%run_scoped3A : memref<!tpu.dma_semaphore, #tpu.memory_space<semaphore_mem>>) src(%arg4 : memref<32768xi32, #tpu.memory_space<vmem>>) dst(%dma_wait3A_182 : memref<32768xi32, #tpu.memory_space<hbm>>)
        tpu.yield
      }) : () -> ()
    } else {
    }
    return
  }
}

module attributes {stable_mosaic.version = 14 : i64} {
  func.func @_minmax_kernel(%arg0: i32, %arg1: memref<48x65536xf32, #tpu.memory_space<vmem>>, %arg2: memref<48x128xf32, #tpu.memory_space<vmem>>, %arg3: memref<48x128xf32, #tpu.memory_space<vmem>>, %arg4: memref<48x128xf32, #tpu.memory_space<vmem>>) attributes {dimension_semantics = [#tpu.dimension_semantics<arbitrary>], iteration_bounds = array<i64: 4>, scalar_prefetch = 0 : i64, scratch_operands = 1 : i64, tpu.core_type = #tpu.core_type<tc>, window_params = [{transform_indices = @transform_0, window_bounds = array<i64: 48, 65536>}, {pipeline_mode = #tpu.pipeline_mode<synchronous>, transform_indices = @transform_1, window_bounds = array<i64: 48, 128>}, {pipeline_mode = #tpu.pipeline_mode<synchronous>, transform_indices = @transform_2, window_bounds = array<i64: 48, 128>}]} {
    %get3A = arith.constant 0 : index
    %get3A_0 = arith.constant 0 : index
    %get3A_1 = vector.load %arg1[%get3A, %get3A_0] : memref<48x65536xf32, #tpu.memory_space<vmem>>, vector<48x65536xf32>
    %reduce_min3A = arith.constant dense<0x7F800000> : vector<48xf32>
    %reduce_min3A_2 = vector.multi_reduction <minimumf>, %get3A_1, %reduce_min3A [1] : vector<48x65536xf32> to vector<48xf32>
    %broadcast_in_dim3A = vector.shape_cast %reduce_min3A_2 : vector<48xf32> to vector<48x1xf32>
    %broadcast_in_dim3A_3 = vector.shape_cast %broadcast_in_dim3A : vector<48x1xf32> to vector<48x1xf32>
    %broadcast_in_dim3A_4 = vector.broadcast %broadcast_in_dim3A_3 : vector<48x1xf32> to vector<48x128xf32>
    %reduce_max3A = arith.constant dense<0xFF800000> : vector<48xf32>
    %reduce_max3A_5 = vector.multi_reduction <maximumf>, %get3A_1, %reduce_max3A [1] : vector<48x65536xf32> to vector<48xf32>
    %broadcast_in_dim3A_6 = vector.shape_cast %reduce_max3A_5 : vector<48xf32> to vector<48x1xf32>
    %broadcast_in_dim3A_7 = vector.shape_cast %broadcast_in_dim3A_6 : vector<48x1xf32> to vector<48x1xf32>
    %broadcast_in_dim3A_8 = vector.broadcast %broadcast_in_dim3A_7 : vector<48x1xf32> to vector<48x128xf32>
    %eq3A = arith.constant 0 : i32
    %eq3A_9 = arith.cmpi eq, %arg0, %eq3A : i32
    %convert_element_type3A = arith.extui %eq3A_9 : i1 to i32
    %cond3A = arith.constant 0 : i32
    %cond3A_10 = arith.cmpi ne, %convert_element_type3A, %cond3A : i32
    scf.if %cond3A_10 {
      %swap3A = arith.constant 0 : index
      %swap3A_20 = arith.constant 0 : index
      %swap3A_21 = vector.load %arg2[%swap3A, %swap3A_20] : memref<48x128xf32, #tpu.memory_space<vmem>>, vector<48x128xf32>
      tpu.vector_store %arg2[%swap3A, %swap3A_20], %broadcast_in_dim3A_4 {strides = array<i32>} : memref<48x128xf32, #tpu.memory_space<vmem>>, vector<48x128xf32>,
      %swap3A_22 = arith.constant 0 : index
      %swap3A_23 = arith.constant 0 : index
      %swap3A_24 = vector.load %arg4[%swap3A_22, %swap3A_23] : memref<48x128xf32, #tpu.memory_space<vmem>>, vector<48x128xf32>
      tpu.vector_store %arg4[%swap3A_22, %swap3A_23], %broadcast_in_dim3A_8 {strides = array<i32>} : memref<48x128xf32, #tpu.memory_space<vmem>>, vector<48x128xf32>,
    } else {
    }
    %gt3A = arith.constant 0 : i32
    %gt3A_11 = arith.cmpi sgt, %arg0, %gt3A : i32
    %convert_element_type3A_12 = arith.extui %gt3A_11 : i1 to i32
    %cond3A_13 = arith.constant 0 : i32
    %cond3A_14 = arith.cmpi ne, %convert_element_type3A_12, %cond3A_13 : i32
    scf.if %cond3A_14 {
      %get3A_20 = arith.constant 0 : index
      %get3A_21 = arith.constant 0 : index
      %get3A_22 = vector.load %arg2[%get3A_20, %get3A_21] : memref<48x128xf32, #tpu.memory_space<vmem>>, vector<48x128xf32>
      %min3A = arith.minimumf %get3A_22, %broadcast_in_dim3A_4 : vector<48x128xf32>
      %swap3A = arith.constant 0 : index
      %swap3A_23 = arith.constant 0 : index
      %swap3A_24 = vector.load %arg2[%swap3A, %swap3A_23] : memref<48x128xf32, #tpu.memory_space<vmem>>, vector<48x128xf32>
      tpu.vector_store %arg2[%swap3A, %swap3A_23], %min3A {strides = array<i32>} : memref<48x128xf32, #tpu.memory_space<vmem>>, vector<48x128xf32>,
      %get3A_25 = arith.constant 0 : index
      %get3A_26 = arith.constant 0 : index
      %get3A_27 = vector.load %arg4[%get3A_25, %get3A_26] : memref<48x128xf32, #tpu.memory_space<vmem>>, vector<48x128xf32>
      %max3A = arith.maximumf %get3A_27, %broadcast_in_dim3A_8 : vector<48x128xf32>
      %swap3A_28 = arith.constant 0 : index
      %swap3A_29 = arith.constant 0 : index
      %swap3A_30 = vector.load %arg4[%swap3A_28, %swap3A_29] : memref<48x128xf32, #tpu.memory_space<vmem>>, vector<48x128xf32>
      tpu.vector_store %arg4[%swap3A_28, %swap3A_29], %max3A {strides = array<i32>} : memref<48x128xf32, #tpu.memory_space<vmem>>, vector<48x128xf32>,
    } else {
    }
    %eq3A_15 = arith.constant 3 : i32
    %eq3A_16 = arith.cmpi eq, %arg0, %eq3A_15 : i32
    %convert_element_type3A_17 = arith.extui %eq3A_16 : i1 to i32
    %cond3A_18 = arith.constant 0 : i32
    %cond3A_19 = arith.cmpi ne, %convert_element_type3A_17, %cond3A_18 : i32
    scf.if %cond3A_19 {
      %get3A_20 = arith.constant 0 : index
      %get3A_21 = arith.constant 0 : index
      %get3A_22 = vector.load %arg4[%get3A_20, %get3A_21] : memref<48x128xf32, #tpu.memory_space<vmem>>, vector<48x128xf32>
      %get3A_23 = arith.constant 0 : index
      %get3A_24 = arith.constant 0 : index
      %get3A_25 = vector.load %arg2[%get3A_23, %get3A_24] : memref<48x128xf32, #tpu.memory_space<vmem>>, vector<48x128xf32>
      %sub3A = arith.subf %get3A_22, %get3A_25 : vector<48x128xf32>
      %div3A = arith.constant 3.100000e+01 : f32
      %div3A_26 = vector.broadcast %div3A : f32 to vector<48x128xf32>
      %div3A_27 = arith.divf %div3A_26, %sub3A : vector<48x128xf32>
      %swap3A = arith.constant 0 : index
      %swap3A_28 = arith.constant 0 : index
      %swap3A_29 = vector.load %arg3[%swap3A, %swap3A_28] : memref<48x128xf32, #tpu.memory_space<vmem>>, vector<48x128xf32>
      tpu.vector_store %arg3[%swap3A, %swap3A_28], %div3A_27 {strides = array<i32>} : memref<48x128xf32, #tpu.memory_space<vmem>>, vector<48x128xf32>,
    } else {
    }
    return
  }
  func.func @transform_0(%arg0: i32) -> (i32, i32) {
    %c0_i32 = arith.constant 0 : i32
    %c0_i32_0 = arith.constant 0 : i32
    return %c0_i32, %arg0 : i32, i32
  }
  func.func @transform_1(%arg0: i32) -> (i32, i32) {
    %c0_i32 = arith.constant 0 : i32
    %c0_i32_0 = arith.constant 0 : i32
    %c0_i32_1 = arith.constant 0 : i32
    return %c0_i32, %c0_i32_0 : i32, i32
  }
  func.func @transform_2(%arg0: i32) -> (i32, i32) {
    %c0_i32 = arith.constant 0 : i32
    %c0_i32_0 = arith.constant 0 : i32
    %c0_i32_1 = arith.constant 0 : i32
    return %c0_i32, %c0_i32_0 : i32, i32
  }
}

module attributes {stable_mosaic.version = 14 : i64} {
  func.func @_lin_kernel(%arg0: i32, %arg1: memref<48x32768xf32, #tpu.memory_space<vmem>>, %arg2: memref<48x128xf32, #tpu.memory_space<vmem>>, %arg3: memref<48x128xf32, #tpu.memory_space<vmem>>, %arg4: memref<16x32768xi32, #tpu.memory_space<vmem>>) attributes {dimension_semantics = [#tpu.dimension_semantics<arbitrary>], iteration_bounds = array<i64: 8>, scalar_prefetch = 0 : i64, scratch_operands = 0 : i64, tpu.core_type = #tpu.core_type<tc>, window_params = [{transform_indices = @transform_0, window_bounds = array<i64: 48, 32768>}, {pipeline_mode = #tpu.pipeline_mode<synchronous>, transform_indices = @transform_1, window_bounds = array<i64: 48, 128>}, {pipeline_mode = #tpu.pipeline_mode<synchronous>, transform_indices = @transform_2, window_bounds = array<i64: 48, 128>}, {transform_indices = @transform_3, window_bounds = array<i64: 16, 32768>}]} {
    %get3A = arith.constant 0 : index
    %get3A_0 = arith.constant 0 : index
    %get3A_1 = vector.load %arg1[%get3A, %get3A_0] : memref<48x32768xf32, #tpu.memory_space<vmem>>, vector<48x32768xf32>
    %get3A_2 = arith.constant 0 : index
    %get3A_3 = arith.constant 0 : index
    %get3A_4 = vector.load %arg2[%get3A_2, %get3A_3] : memref<48x128xf32, #tpu.memory_space<vmem>>, vector<48x1xf32>
    %broadcast_in_dim3A = vector.shape_cast %get3A_4 : vector<48x1xf32> to vector<48x1xf32>
    %broadcast_in_dim3A_5 = vector.broadcast %broadcast_in_dim3A : vector<48x1xf32> to vector<48x32768xf32>
    %get3A_6 = arith.constant 0 : index
    %get3A_7 = arith.constant 0 : index
    %get3A_8 = vector.load %arg3[%get3A_6, %get3A_7] : memref<48x128xf32, #tpu.memory_space<vmem>>, vector<48x1xf32>
    %broadcast_in_dim3A_9 = vector.shape_cast %get3A_8 : vector<48x1xf32> to vector<48x1xf32>
    %broadcast_in_dim3A_10 = vector.broadcast %broadcast_in_dim3A_9 : vector<48x1xf32> to vector<48x32768xf32>
    %sub3A = arith.subf %get3A_1, %broadcast_in_dim3A_5 : vector<48x32768xf32>
    %mul3A = arith.mulf %sub3A, %broadcast_in_dim3A_10 : vector<48x32768xf32>
    %floor3A = math.floor %mul3A : vector<48x32768xf32>
    %slice3A = vector.extract_strided_slice %floor3A {offsets = [0, 0], sizes = [16, 32768], strides = [1, 1]} : vector<48x32768xf32> to vector<16x32768xf32>
    %mul3A_11 = arith.constant 1.024000e+03 : f32
    %mul3A_12 = vector.broadcast %mul3A_11 : f32 to vector<16x32768xf32>
    %mul3A_13 = arith.mulf %slice3A, %mul3A_12 : vector<16x32768xf32>
    %slice3A_14 = vector.extract_strided_slice %floor3A {offsets = [16, 0], sizes = [16, 32768], strides = [1, 1]} : vector<48x32768xf32> to vector<16x32768xf32>
    %mul3A_15 = arith.constant 3.200000e+01 : f32
    %mul3A_16 = vector.broadcast %mul3A_15 : f32 to vector<16x32768xf32>
    %mul3A_17 = arith.mulf %slice3A_14, %mul3A_16 : vector<16x32768xf32>
    %add3A = arith.addf %mul3A_13, %mul3A_17 : vector<16x32768xf32>
    %slice3A_18 = vector.extract_strided_slice %floor3A {offsets = [32, 0], sizes = [16, 32768], strides = [1, 1]} : vector<48x32768xf32> to vector<16x32768xf32>
    %add3A_19 = arith.addf %add3A, %slice3A_18 : vector<16x32768xf32>
    %convert_element_type3A = arith.fptosi %add3A_19 : vector<16x32768xf32> to vector<16x32768xi32>
    %swap3A = arith.constant 0 : index
    %swap3A_20 = arith.constant 0 : index
    %swap3A_21 = vector.load %arg4[%swap3A, %swap3A_20] : memref<16x32768xi32, #tpu.memory_space<vmem>>, vector<16x32768xi32>
    tpu.vector_store %arg4[%swap3A, %swap3A_20], %convert_element_type3A {strides = array<i32>} : memref<16x32768xi32, #tpu.memory_space<vmem>>, vector<16x32768xi32>,
    return
  }
  func.func @transform_0(%arg0: i32) -> (i32, i32) {
    %c0_i32 = arith.constant 0 : i32
    %c0_i32_0 = arith.constant 0 : i32
    return %c0_i32, %arg0 : i32, i32
  }
  func.func @transform_1(%arg0: i32) -> (i32, i32) {
    %c0_i32 = arith.constant 0 : i32
    %c0_i32_0 = arith.constant 0 : i32
    %c0_i32_1 = arith.constant 0 : i32
    return %c0_i32, %c0_i32_0 : i32, i32
  }
  func.func @transform_2(%arg0: i32) -> (i32, i32) {
    %c0_i32 = arith.constant 0 : i32
    %c0_i32_0 = arith.constant 0 : i32
    %c0_i32_1 = arith.constant 0 : i32
    return %c0_i32, %c0_i32_0 : i32, i32
  }
  func.func @transform_3(%arg0: i32) -> (i32, i32) {
    %c0_i32 = arith.constant 0 : i32
    %c0_i32_0 = arith.constant 0 : i32
    return %c0_i32, %arg0 : i32, i32
  }
}

</mosaic_0001>

<sc_bundles>
// kernel: kernel.5.cloned.1.call-start
scs
__scs_entry_jumppad:
0x0: {  	(pc) =	sbr.rel $0x88, $3  }
0x1: {  	(tag) =	ssettag $0x0;
	lr =	simm.s32 $0x1  }
0x2: {  	[smem:$0x3FA0] =	sst lr;
	_ =	strace $0xD0000000  }
0x3: {  	_ = 	snop  }
0x4: {  	_ = 	snop  }
0x5: {  	_ = 	snop  }
0x6: {  	_ = 	snop  }
0x7: {  	_ = 	snop  }
__scs_overlays_trampoline_lowered:
0x8: {  	[smem:$0x3FAF] =	sst s0  }
0x9: {  	[smem:$0x3FB0] =	sst s1  }
0xa: {  	[smem:$0x3FB1] =	sst s2  }
0xb: {  	[smem:$0x3FB2] =	sst s3  }
0xc: {  	[smem:$0x3FB3] =	sst s4  }
0xd: {  	[smem:$0x3FB4] =	sst s5  }
0xe: {  	[smem:$0x3FB5] =	sst s6  }
0xf: {  	[smem:$0x3FB6] =	sst s7  }
0x10: {  	[smem:$0x3FB7] =	sst s8  }
0x11: {  	[smem:$0x3FB8] =	sst s9;
	s0 =	simm.s32 @!p0 $0x0  }
0x12: {  	s1 =	sld [smem:$0x3F9E];
	s0 =	simm.s32 @p0 $0x1  }
0x13: {  	[smem:$0x3FB9] =	sst s0;
	s0 =	simm.s32 @!p1 $0x0  }
0x14: {  	s2 =	sld [smem:$0x3F9D];
	s0 =	simm.s32 @p1 $0x1  }
0x15: {  	[smem:$0x3FBA] =	sst s0;
	s0 =	simm.s32 @!p2 $0x0  }
0x16: {  	s3 =	sld [smem:$0x3FDB];
	s0 =	simm.s32 @p2 $0x1  }
0x17: {  	s4 =	simm.s32 $0x1BF5;
	[smem:$0x3FBC] =	sst s0  }
0x18: {  	s0 =	sld [smem:$0x3F9F];
	_ =	swait.ge [sflag:s4], $0x0  }
0x19: {  	s7 =	sld [smem:$0x3FA0]  }
0x1a: {  	s8 =	sadd.s32 $0xFFFFE003, lr  }
0x1b: {  	s9 =	sadd.s32 $0xFFFFFEF7, lr;
	s5 =	simm.s32 $0xFFFFFFFF;
	p2 =	slt.u32 s8, $0xFFFFF086  }
0x1c: {  	p1 =	slt.u32 s9, $0xF7A;
	s5 =	simm.s32 @!p2 $0x0  }
0x1d: {  	s5 =	simm.s32 @p1 $0x1;
	p0 =	seq.s32 s7, s2  }
0x1e: {  	s7 =	smul.u32 @!p0 $0xF7A, s2;
	p2 =	seq.s32 @!p0 s5, $0x0  }
0x1f: {  	s9 =	smul.u32 $0xF7A, s1;
	s8 =	simm.s32 @!p0 $0x1BF5;
	p2 =	por !p2, p0  }
0x20: {  	[sflag:s8] =	ssyncset.s32 @!p0 $0xFFFFF086;
	s6 =	sadd.s32 @!p0 s3, s7;
	s7 =	simm.s32 @!p0 $0x108  }
0x21: {  	s3 =	sadd.s32 s3, s9;
	s6 =	sadd.s32 @!p0 $0x88, s6;
	s7 =	simm.s32 @p2 $0x1082  }
0x22: {  	[simem:s7], [sflag:s8] =	dma.local @!p0 [hbm:s6], $0xF7A  }
0x23: {  	s9 =	sor.u32 $0xD0000000, s2;
	s6 =	simm.s32 $0x108;
	_ =	swait.ge @!p0 [sflag:s8], $0x0  }
0x24: {  	s3 =	sadd.s32 $0x88, s3;
	s6 =	simm.s32 @!p1 $0x1082;
	[sflag:s4] =	ssyncset.s32 $0xFFFFF086  }
0x25: {  	[simem:s6], [sflag:s4] =	dma.local [hbm:s3], $0xF7A  }
0x26: {  	[smem:$0x3FA0] =	sst s1;
	(tag) =	ssettag s2;
	_ =	strace s9  }
0x27: {  	s1 =	sld [smem:$0x3FB0]  }
0x28: {  	s2 =	sld [smem:$0x3FB1]  }
0x29: {  	s4 =	sld [smem:$0x3FB3]  }
0x2a: {  	p0 =	seq.s32 s5, $0x0;
	s5 =	sld [smem:$0x3FB4]  }
0x2b: {  	s6 =	sld [smem:$0x3FB5]  }
0x2c: {  	s7 =	sld [smem:$0x3FB6]  }
0x2d: {  	s3 =	simm.s32 $0x108;
	s8 =	sld [smem:$0x3FB7]  }
0x2e: {  	s3 =	simm.s32 @!p0 $0x1082;
	s9 =	sld [smem:$0x3FB8]  }
0x2f: {  	lr =	sadd.s32 s0, s3;
	s0 =	sld [smem:$0x3FAF]  }
0x30: {  	s3 =	sld [smem:$0x3FB2]  }
0x31: {  	[smem:$0x3FBB] =	sst s10  }
0x32: {  	s10 =	sld [smem:$0x3FB9];
	_ =	sdelay $0x3  }
0x33: {  	p0 =	seq.s32 s10, $0x1;
	s10 =	sld [smem:$0x3FBB];
	_ =	sdelay $0x3  }
0x34: {  	[smem:$0x3FBB] =	sst s10  }
0x35: {  	s10 =	sld [smem:$0x3FBA];
	_ =	sdelay $0x3  }
0x36: {  	p1 =	seq.s32 s10, $0x1;
	s10 =	sld [smem:$0x3FBB];
	_ =	sdelay $0x3  }
0x37: {  	[smem:$0x3FBB] =	sst s10  }
0x38: {  	s10 =	sld [smem:$0x3FBC]  }
0x39: {  	_ = 	snop;
	(pc) =	sbr.ind lr, $3  }
0x3a: {  	_ = 	snop  }
0x3b: {  	_ = 	snop  }
0x3c: {  	p2 =	seq.s32 s10, $0x1;
	s10 =	sld [smem:$0x3FBB]  }
0x3d: {  	_ =	shalt  }
0x3e: {  	_ =	shalt  }
0x3f: {  	_ =	shalt  }
0x40: {  	_ =	shalt  }
0x41: {  	_ =	shalt  }
0x42: {  	_ =	shalt  }
0x43: {  	_ =	shalt  }
0x44: {  	_ =	shalt  }
0x45: {  	_ =	shalt  }
0x46: {  	_ =	shalt  }
0x47: {  	_ =	shalt  }
0x48: {  	_ =	shalt  }
0x49: {  	_ =	shalt  }
0x4a: {  	_ =	shalt  }
0x4b: {  	_ =	shalt  }
0x4c: {  	_ =	shalt  }
0x4d: {  	_ =	shalt  }
0x4e: {  	_ =	shalt  }
0x4f: {  	_ =	shalt  }
0x50: {  	_ =	shalt  }
0x51: {  	_ =	shalt  }
0x52: {  	_ =	shalt  }
0x53: {  	_ =	shalt  }
0x54: {  	_ =	shalt  }
0x55: {  	_ =	shalt  }
0x56: {  	_ =	shalt  }
0x57: {  	_ =	shalt  }
0x58: {  	_ =	shalt  }
0x59: {  	_ =	shalt  }
0x5a: {  	_ =	shalt  }
0x5b: {  	_ =	shalt  }
0x5c: {  	_ =	shalt  }
0x5d: {  	_ =	shalt  }
0x5e: {  	_ =	shalt  }
0x5f: {  	_ =	shalt  }
0x60: {  	_ =	shalt  }
0x61: {  	_ =	shalt  }
0x62: {  	_ =	shalt  }
0x63: {  	_ =	shalt  }
0x64: {  	_ =	shalt  }
0x65: {  	_ =	shalt  }
0x66: {  	_ =	shalt  }
0x67: {  	_ =	shalt  }
0x68: {  	_ =	shalt  }
0x69: {  	_ =	shalt  }
0x6a: {  	_ =	shalt  }
0x6b: {  	_ =	shalt  }
0x6c: {  	_ =	shalt  }
0x6d: {  	_ =	shalt  }
0x6e: {  	_ =	shalt  }
0x6f: {  	_ =	shalt  }
0x70: {  	_ =	shalt  }
0x71: {  	_ =	shalt  }
0x72: {  	_ =	shalt  }
0x73: {  	_ =	shalt  }
0x74: {  	_ =	shalt  }
0x75: {  	_ =	shalt  }
0x76: {  	_ =	shalt  }
0x77: {  	_ =	shalt  }
0x78: {  	_ =	shalt  }
0x79: {  	_ =	shalt  }
0x7a: {  	_ =	shalt  }
0x7b: {  	_ =	shalt  }
0x7c: {  	_ =	shalt  }
0x7d: {  	_ =	shalt  }
0x7e: {  	_ =	shalt  }
0x7f: {  	_ =	shalt  }
0x80: {  	_ =	shalt  }
0x81: {  	_ =	shalt  }
0x82: {  	_ =	shalt  }
0x83: {  	_ =	shalt  }
0x84: {  	_ =	shalt  }
0x85: {  	_ =	shalt  }
0x86: {  	_ =	shalt  }
0x87: {  	_ =	shalt  }
.Lfunc_end0:
.L_simem_size_0:
called_computation_lowered:
.L_overlay_start_0:
0x88: {  	s2 =	sld [smem:$0x3FD9]  }
0x89: {  	s3 =	sld [smem:$0x3FFE];
	_ =	sdelay $0x1  }
0x8a: {  	s1 =	srdreg.scid  }
0x8b: {  	s0 =	sand.u32 $0x1, s1  }
0x8c: {  	s15 =	sshll.u32 s0, $0xA;
	s2 =	sadd.s32 s3, s2  }
0x8d: {  	s2 =	sadd.s32 s2, s15  }
0x8e: {  	[smem:$0x3FC7] =	sst s2  }
0x8f: {  	_ = 	snop  }
0x90: {  	s2 =	sld [smem:$0x3FD0];
	_ =	sdelay $0x2  }
0x91: {  	s16 =	simm.s32 $0xA;
	s4 =	simm.s32 $0x10  }
0x92: {  	[smem:s4], [sflag:s16] =	dma.local [hbm:s2], $0x1  }
0x93: {  	_ =	swait.eq [sflag:s16], $0x1  }
0x94: {  	[sflag:s16] =	ssyncset.done $0x0  }
0x95: {  	s17 =	sld [smem:$0x10];
	[sflag:s16] =	ssyncadd.s32 $0xFFFFFFFF  }
0x96: {  	s18 =	sld [smem:$0x11];
	(tm) =	ssettm $0x1  }
0x97: {  	s19 =	sld [smem:$0x3FFB];
	_ =	sdelay $0x3  }
0x98: {  	_ =	strace s19  }
0x99: {  	s4 =	sld [smem:$0x3FFC];
	_ =	sdelay $0x3  }
0x9a: {  	_ =	strace s4  }
0x9b: {  	s4 =	sld [smem:$0x3FFD];
	_ =	sdelay $0x3  }
0x9c: {  	_ =	strace s4  }
0x9d: {  	_ =	strace $0x8FFFFFFF  }
0x9e: {  	s20 =	sld [smem:$0x3FDB];
	_ =	sdelay $0x1  }
0x9f: {  	s5 =	simm.s32 $_scs_section_size  }
0xa0: {  	s6 =	simm.s32 $_size__tile_overlayer_lowered;
	s7 =	simm.s32 $_tile_overlayer_lowered  }
0xa1: {  	s23 =	simm.s32 $0x1BFF;
	s22 =	sshll.u32 s7, $0x1;
	s4 =	sadd.s32 s5, s20  }
0xa2: {  	s8 =	simm.s32 $0x0;
	s21 =	sshll.u32 s6, $0x1;
	s6 =	sadd.s32 s22, s4  }
0xa3: {  	[timem:s8], [sflag:s23] =	dma.local [hbm:s6], s21  }
0xa4: {  	_ =	swait.ge [sflag:s23], s21  }
0xa5: {  	s5 =	ssub.s32 $0x0, s21;
	[sflag:s23] =	ssyncset.done $0x0  }
0xa6: {  	[sflag:s23] =	ssyncadd.s32 s5;
	_ =	sdelay $0x1  }
0xa7: {  	s24 =	simm.s32 $0x1B8B  }
0xa8: {  	_ =	swait.ge [sflag:s24], $0x1  }
0xa9: {  	[sflag:s24] =	ssyncset.done $0x0  }
0xaa: {  	s25 =	simm.s32 $0x1B8E;
	[sflag:s24] =	ssyncadd.s32 $0xFFFFFFFF  }
0xab: {  	s26 =	simm.s32 $execute0_lowered;
	[smem:$0x3FD2] =	sst s25  }
0xac: {  	s5 =	sshll.u32 s26, $0x1;
	_ =	strace $0x80000046;
	[dreg:$0x1] =	wrdreg $0xFFFFFFFF  }
0xad: {  	s28 =	simm.s32 $_size_execute0_lowered;
	s4 =	sadd.s32 s4, s5;
	[dreg:$0x0] =	wrdreg $0x0  }
0xae: {  	s5 =	sshll.u32 s28, $0x1;
	[dreg:$0x2] =	wrdreg s4  }
0xaf: {  	[dreg:$0x3] =	wrdreg s5  }
0xb0: {  	[dreg:$0x4] =	wrdreg $0xC0  }
0xb1: {  	_ =	task [dreg:s8], $0x5FFFF  }
0xb2: {  	[dreg:$0x1] =	wrdreg $0xFFFFFFFF  }
0xb3: {  	[dreg:$0x0] =	wrdreg $0x60  }
0xb4: {  	[dreg:$0x2] =	wrdreg s17  }
0xb5: {  	[dreg:$0x3] =	wrdreg s18  }
0xb6: {  	[dreg:$0x4] =	wrdreg $0x100000  }
0xb7: {  	[dreg:$0x5] =	wrdreg $0x9  }
0xb8: {  	_ =	task.clear_ibuf [dreg:s8], $0x6FFFF;
	_ =	strace $0x90000046  }
0xb9: {  	s29 =	simm.s32 $0x9;
	_ =	strace $0x80000048  }
0xba: {  	_ =	swait.ge [sflag:s29], $0x1  }
0xbb: {  	[sflag:s29] =	ssyncadd.s32 $0xFFFFFFFF  }
0xbc: {  	_ =	strace $0x90000048  }
0xbd: {  	_ =	sfence  }
0xbe: {  	s30 =	sld [smem:$0x0];
	_ =	sdelay $0x2  }
0xbf: {  	s31 =	sshll.u32 s1, $0xD;
	s1 =	sshrl.u32 s1, $0x2  }
0xc0: {  	s3 =	sand.u32 $0x4000, s31;
	s1 =	sadd.s32 s1, s30  }
0xc1: {  	s0 =	sor.u32 s3, s0;
	s1 =	sshll.u32 s1, $0x11  }
0xc2: {  	s0 =	sor.u32 s1, s0  }
0xc3: {  	s0 =	sadd.s32 $0x8F2B, s0  }
0xc4: {  	[sflag:s0] =	ssyncadd.remote.s32 $0x1  }
0xc5: {  	_ =	sfence.sel $0xFFFF  }
0xc6: {  	[dreg:$0x0] =	wrdreg $0xFFFFFFFF;
	(pc) =	sbr.abs _section_cstart, $3  }
0xc7: {  	[dreg:$0x1] =	wrdreg $0xFFFFFFFF  }
0xc8: {  	_ =	task.clear_ibuf [dreg:s8], $0x2FFFF;
	_ =	strace $0x9FFFFFFF  }
0xc9: {  	(tm) =	ssettm $0x7FFFFFFF  }
tec
execute0_lowered:
.L_overlay_start_1:
0x0: {  	(tag) =	ssettag $0x1  }
0x1: {  	s3 =	rddreg [dreg:$0x0];
	s1 =	srdreg.scid  }
0x2: {  	s0 =	stileid.u32;
	s12 =	rddreg [dreg:$0x1]  }
0x3: {  	s11 =	rddreg [dreg:$0x2];
	s16 =	simm.s32 $0x14000;
	s17 =	simm.s32 $0x1  }
0x4: {  	s18 =	simm.s32 $0x18000;
	s19 =	simm.s32 $0x2;
	s21 =	simm.s32 $0x3  }
0x5: {  	s22 =	simm.s32 $0x0;
	s8 =	sand.u32 $0x1, s1;
	s20 =	sand.u32 $0x1, s0  }
0x6: {  	s4 =	sshll.u32 s0, $0x6;
	s1 =	rddreg [dreg:$0x3];
	s29 =	sshll.u32 s20, $0x14  }
0x7: {  	s2 =	sshll.u32 s8, $0x15;
	s13 =	sand.u32 $0x380, s4;
	s5 =	ssub.s32 $0x2, s8  }
0x8: {  	s10 =	sshll.u32 s8, $0x12;
	p0 =	seq.s32 s20, $0x0;
	s20 =	simm.s32 $0x8000  }
0x9: {  	s30 =	sor.u32 s2, s29;
	s2 =	simm.s32 $0x0;
	s6 =	sshrl.u32 s5, $0x1  }
0xa: {  	s15 =	sor.u32 s10, s13;
	s11 =	sadd.s32 s13, s11;
	s4 =	sor.u32 s13, s30  }
0xb: {  	[smem:$0x7FF] =	sst s2;
	s14 =	ssub.s32 s5, s6;
	s31 =	sshrl.u32 s15, $0x3  }
.Ltmp0:
0xc: {  	s15 =	simm.s32 $0x400;
	s4 =	sshrl.u32 s4, $0x3;
	(pc) =	sbr.rel .LBB2_1-.Ltmp0, $4  }
0xd: {  	_ =	strace $0x80000047;
	s12 =	sadd.s32 s12, s31;
	s3 =	sadd.s32 s3, s4  }
0xe: {  	s13 =	smax.u32 s14, $0x1;
	s14 =	simm.s32 $0x80;
	s4 =	sadd.s32 $0x4000, s3  }
0xf: {  	s5 =	sadd.s32 $0x8000, s3;
	s6 =	sadd.s32 $0xC000, s3;
	s7 =	sadd.s32 $0x10000, s3  }
0x10: {  	v0 =	vimm.s32 $0x0;
	v1 =	vimm.s32 $0x1;
	s8 =	sadd.s32 $0x14000, s3;
	s9 =	sadd.s32 $0x18000, s3;
	s10 =	sadd.s32 $0x1C000, s3  }
.LBB2_20:
0x11: {  	[spmem:s11] =	stream.strided.scatter [tilespmem:s2], [sflag:$0x3], $0x8000, s15, s14, $0x38;
	[tilespmem:$0x1C000] =	vst v63  }
0x12: {  	_ =	swait.ge [sflag:s21], $0x8000  }
0x13: {  	[sflag:s21] =	ssyncset.done $0x0  }
0x14: {  	[sflag:s21] =	ssyncadd.s32 $0xFFFF8000  }
0x15: {  	[bflag:$0x0] =	sbarrier.arrive $0xFFFF  }
.LBB2_24:
0x16: {  	s22 =	sadd.s32 $0x1, s22  }
0x17: {  	p1 =	sne.s32 s22, s13  }
.Ltmp1:
0x18: {  	_ = 	snop;
	(pc) =	sbr.rel @!p1 .LBB2_25-.Ltmp1, $1  }
0x19: {  	_ =	sdelay $0x3  }
.LBB2_1:
0x1a: {  	[tilespmem:s14+$0xFFFFFF80] =	vst v0  }
0x1b: {  	[tilespmem:s14+$0x70] =	vst v0  }
0x1c: {  	[tilespmem:s14+$0x60] =	vst v0  }
0x1d: {  	[tilespmem:s14+$0x50] =	vst v0  }
0x1e: {  	[tilespmem:s14+$0x40] =	vst v0  }
0x1f: {  	[tilespmem:s14+$0x30] =	vst v0  }
0x20: {  	[tilespmem:s14+$0x20] =	vst v0  }
0x21: {  	[tilespmem:s14+$0x10] =	vst v0  }
0x22: {  	[tilespmem:s14+$0x0] =	vst v0  }
0x23: {  	[tilespmem:s14+$0xFFFFFFF0] =	vst v0  }
0x24: {  	[tilespmem:s14+$0xFFFFFFE0] =	vst v0  }
0x25: {  	[tilespmem:s14+$0xFFFFFFD0] =	vst v0  }
0x26: {  	[tilespmem:s14+$0xFFFFFFC0] =	vst v0  }
0x27: {  	[tilespmem:s14+$0xFFFFFFB0] =	vst v0  }
0x28: {  	s23 =	simm.s32 $0x0;
	[tilespmem:s14+$0xFFFFFFA0] =	vst v0;
	s24 =	simm.s32 $0x80  }
.LBB2_2:
0x29: {  	s23 =	sadd.s32 $0x10, s23;
	[tilespmem:s24+$0xFFFFFF90] =	vst v0;
	s24 =	sadd.s32 $0x100, s24  }
0x2a: {  	[tilespmem:s24+$0xFFFFFF80] =	vst v0;
	p1 =	slt.u32 s23, $0x7F0  }
0x2b: {  	[tilespmem:s24+$0x70] =	vst v0  }
0x2c: {  	[tilespmem:s24+$0x60] =	vst v0  }
0x2d: {  	[tilespmem:s24+$0x50] =	vst v0  }
0x2e: {  	[tilespmem:s24+$0x40] =	vst v0  }
0x2f: {  	[tilespmem:s24+$0x30] =	vst v0  }
0x30: {  	[tilespmem:s24+$0x20] =	vst v0  }
0x31: {  	[tilespmem:s24+$0x10] =	vst v0  }
0x32: {  	[tilespmem:s24+$0x0] =	vst v0  }
0x33: {  	[tilespmem:s24+$0xFFFFFFF0] =	vst v0  }
.Ltmp2:
0x34: {  	[tilespmem:s24+$0xFFFFFFE0] =	vst v0;
	(pc) =	sbr.rel @p1 .LBB2_2-.Ltmp2, $4  }
0x35: {  	[tilespmem:s24+$0xFFFFFFD0] =	vst v0  }
0x36: {  	[tilespmem:s24+$0xFFFFFFC0] =	vst v0  }
0x37: {  	[tilespmem:s24+$0xFFFFFFB0] =	vst v0  }
0x38: {  	[tilespmem:s24+$0xFFFFFFA0] =	vst v0  }
0x39: {  	[tilespmem:s24+$0xFFFFFF90] =	vst v0  }
0x3a: {  	[tilespmem:s16], [sflag:$0x1] =	stream.strided.gather [hbm4b:s3+s14], $0x4000, s15, s14, $0x38;
	[tilespmem:$0x1C000] =	vst v63  }
0x3b: {  	_ =	swait.ge [sflag:s17], $0x4000  }
0x3c: {  	[sflag:s17] =	ssyncset.done $0x0  }
0x3d: {  	s23 =	simm.s32 $0x14080;
	[sflag:s17] =	ssyncadd.s32 $0xFFFFC000  }
0x3e: {  	[tilespmem:s18], [sflag:$0x2] =	stream.strided.gather [hbm4b:s4+s14], $0x4000, s15, s14, $0x38;
	[tilespmem:$0x1C000] =	vst v63  }
0x3f: {  	v3 =	vld [tilespmem:s23+$0x30]  }
0x40: {  	v4 =	vld [tilespmem:s23+$0x40]  }
0x41: {  	v2 =	vld [tilespmem:s23+$0xFFFFFF80]  }
0x42: {  	v5 =	vld [tilespmem:s23+$0x70]  }
0x43: {  	v6 =	vld [tilespmem:s23+$0xFFFFFFD0]  }
0x44: {  	v7 =	vld [tilespmem:s23+$0xFFFFFFE0]  }
0x45: {  	v8 =	vld [tilespmem:s23+$0xFFFFFFF0]  }
0x46: {  	v9 =	vld [tilespmem:s23+$0x0]  }
0x47: {  	v10 =	vld [tilespmem:s23+$0x60]  }
0x48: {  	v11 =	vld [tilespmem:s23+$0x50]  }
0x49: {  	v62 =	vld [tilespmem:s23+$0xFFFFFFA0]  }
0x4a: {  	v12 =	vld [tilespmem:s23+$0x20]  }
0x4b: {  	v13 =	vld [tilespmem:s23+$0x10]  }
0x4c: {  	v63 =	vld [tilespmem:s23+$0xFFFFFFB0]  }
0x4d: {  	[tilespmem:v2+s2+$0x0] =	vst.idx.add.s32.msk $0xffff, v1  }
0x4e: {  	[tilespmem:v5+s2+$0x0] =	vst.idx.add.s32.msk $0xffff, v1  }
0x4f: {  	v2 =	vld [tilespmem:s23+$0xFFFFFF90]  }
0x50: {  	[tilespmem:v10+s2+$0x0] =	vst.idx.add.s32.msk $0xffff, v1  }
0x51: {  	[tilespmem:v11+s2+$0x0] =	vst.idx.add.s32.msk $0xffff, v1  }
0x52: {  	[tilespmem:v4+s2+$0x0] =	vst.idx.add.s32.msk $0xffff, v1  }
0x53: {  	[tilespmem:v3+s2+$0x0] =	vst.idx.add.s32.msk $0xffff, v1  }
0x54: {  	v3 =	vld [tilespmem:s23+$0xFFFFFFC0]  }
0x55: {  	[tilespmem:v12+s2+$0x0] =	vst.idx.add.s32.msk $0xffff, v1  }
0x56: {  	[tilespmem:v13+s2+$0x0] =	vst.idx.add.s32.msk $0xffff, v1  }
0x57: {  	[tilespmem:v9+s2+$0x0] =	vst.idx.add.s32.msk $0xffff, v1  }
0x58: {  	[tilespmem:v8+s2+$0x0] =	vst.idx.add.s32.msk $0xffff, v1  }
0x59: {  	[tilespmem:v7+s2+$0x0] =	vst.idx.add.s32.msk $0xffff, v1  }
0x5a: {  	[tilespmem:v6+s2+$0x0] =	vst.idx.add.s32.msk $0xffff, v1  }
0x5b: {  	[tilespmem:v63+s2+$0x0] =	vst.idx.add.s32.msk $0xffff, v1  }
0x5c: {  	[tilespmem:v62+s2+$0x0] =	vst.idx.add.s32.msk $0xffff, v1  }
0x5d: {  	s24 =	simm.s32 $0x0;
	[tilespmem:v3+s2+$0x0] =	vst.idx.add.s32.msk $0xffff, v1  }
.LBB2_4:
0x5e: {  	s24 =	sadd.s32 $0x10, s24;
	[tilespmem:v2+s2+$0x0] =	vst.idx.add.s32.msk $0xffff, v1;
	s23 =	sadd.s32 $0x100, s23  }
0x5f: {  	v3 =	vld [tilespmem:s23+$0x30];
	p1 =	slt.u32 s24, $0x3F0  }
0x60: {  	v4 =	vld [tilespmem:s23+$0x40]  }
0x61: {  	v2 =	vld [tilespmem:s23+$0xFFFFFF80]  }
0x62: {  	v5 =	vld [tilespmem:s23+$0x70]  }
0x63: {  	v6 =	vld [tilespmem:s23+$0xFFFFFFD0]  }
0x64: {  	v7 =	vld [tilespmem:s23+$0xFFFFFFE0]  }
0x65: {  	v8 =	vld [tilespmem:s23+$0xFFFFFFF0]  }
0x66: {  	v9 =	vld [tilespmem:s23+$0x0]  }
0x67: {  	v10 =	vld [tilespmem:s23+$0x60]  }
0x68: {  	v11 =	vld [tilespmem:s23+$0x50]  }
0x69: {  	[tilespmem:v2+s2+$0x0] =	vst.idx.add.s32.msk $0xffff, v1  }
0x6a: {  	[tilespmem:v5+s2+$0x0] =	vst.idx.add.s32.msk $0xffff, v1  }
0x6b: {  	v2 =	vld [tilespmem:s23+$0xFFFFFF90]  }
0x6c: {  	v5 =	vld [tilespmem:s23+$0xFFFFFFA0]  }
0x6d: {  	v12 =	vld [tilespmem:s23+$0x20]  }
0x6e: {  	v13 =	vld [tilespmem:s23+$0x10]  }
0x6f: {  	[tilespmem:v10+s2+$0x0] =	vst.idx.add.s32.msk $0xffff, v1  }
0x70: {  	[tilespmem:v11+s2+$0x0] =	vst.idx.add.s32.msk $0xffff, v1  }
0x71: {  	[tilespmem:v4+s2+$0x0] =	vst.idx.add.s32.msk $0xffff, v1  }
0x72: {  	[tilespmem:v3+s2+$0x0] =	vst.idx.add.s32.msk $0xffff, v1  }
0x73: {  	v3 =	vld [tilespmem:s23+$0xFFFFFFC0]  }
0x74: {  	v4 =	vld [tilespmem:s23+$0xFFFFFFB0]  }
0x75: {  	[tilespmem:v12+s2+$0x0] =	vst.idx.add.s32.msk $0xffff, v1  }
0x76: {  	[tilespmem:v13+s2+$0x0] =	vst.idx.add.s32.msk $0xffff, v1  }
0x77: {  	[tilespmem:v9+s2+$0x0] =	vst.idx.add.s32.msk $0xffff, v1  }
0x78: {  	[tilespmem:v8+s2+$0x0] =	vst.idx.add.s32.msk $0xffff, v1  }
.Ltmp3:
0x79: {  	[tilespmem:v7+s2+$0x0] =	vst.idx.add.s32.msk $0xffff, v1;
	(pc) =	sbr.rel @p1 .LBB2_4-.Ltmp3, $4  }
0x7a: {  	[tilespmem:v6+s2+$0x0] =	vst.idx.add.s32.msk $0xffff, v1  }
0x7b: {  	[tilespmem:v3+s2+$0x0] =	vst.idx.add.s32.msk $0xffff, v1  }
0x7c: {  	[tilespmem:v4+s2+$0x0] =	vst.idx.add.s32.msk $0xffff, v1  }
0x7d: {  	[tilespmem:v5+s2+$0x0] =	vst.idx.add.s32.msk $0xffff, v1  }
0x7e: {  	_ =	sdelay $0x3  }
0x7f: {  	[tilespmem:v2+s2+$0x0] =	vst.idx.add.s32.msk $0xffff, v1  }
0x80: {  	_ =	swait.ge [sflag:s19], $0x4000  }
0x81: {  	[sflag:s19] =	ssyncset.done $0x0  }
0x82: {  	s23 =	simm.s32 $0x18080;
	[sflag:s19] =	ssyncadd.s32 $0xFFFFC000  }
0x83: {  	[tilespmem:s16], [sflag:$0x1] =	stream.strided.gather [hbm4b:s5+s14], $0x4000, s15, s14, $0x38;
	[tilespmem:$0x1C000] =	vst v63  }
0x84: {  	v3 =	vld [tilespmem:s23+$0x30]  }
0x85: {  	v4 =	vld [tilespmem:s23+$0x40]  }
0x86: {  	v2 =	vld [tilespmem:s23+$0xFFFFFF80]  }
0x87: {  	v5 =	vld [tilespmem:s23+$0x70]  }
0x88: {  	v6 =	vld [tilespmem:s23+$0xFFFFFFD0]  }
0x89: {  	v7 =	vld [tilespmem:s23+$0xFFFFFFE0]  }
0x8a: {  	v8 =	vld [tilespmem:s23+$0xFFFFFFF0]  }
0x8b: {  	v9 =	vld [tilespmem:s23+$0x0]  }
0x8c: {  	v10 =	vld [tilespmem:s23+$0x60]  }
0x8d: {  	v11 =	vld [tilespmem:s23+$0x50]  }
0x8e: {  	v62 =	vld [tilespmem:s23+$0xFFFFFFA0]  }
0x8f: {  	v12 =	vld [tilespmem:s23+$0x20]  }
0x90: {  	v13 =	vld [tilespmem:s23+$0x10]  }
0x91: {  	v63 =	vld [tilespmem:s23+$0xFFFFFFB0]  }
0x92: {  	[tilespmem:v2+s2+$0x0] =	vst.idx.add.s32.msk $0xffff, v1  }
0x93: {  	[tilespmem:v5+s2+$0x0] =	vst.idx.add.s32.msk $0xffff, v1  }
0x94: {  	v2 =	vld [tilespmem:s23+$0xFFFFFF90]  }
0x95: {  	[tilespmem:v10+s2+$0x0] =	vst.idx.add.s32.msk $0xffff, v1  }
0x96: {  	[tilespmem:v11+s2+$0x0] =	vst.idx.add.s32.msk $0xffff, v1  }
0x97: {  	[tilespmem:v4+s2+$0x0] =	vst.idx.add.s32.msk $0xffff, v1  }
0x98: {  	[tilespmem:v3+s2+$0x0] =	vst.idx.add.s32.msk $0xffff, v1  }
0x99: {  	v3 =	vld [tilespmem:s23+$0xFFFFFFC0]  }
0x9a: {  	[tilespmem:v12+s2+$0x0] =	vst.idx.add.s32.msk $0xffff, v1  }
0x9b: {  	[tilespmem:v13+s2+$0x0] =	vst.idx.add.s32.msk $0xffff, v1  }
0x9c: {  	[tilespmem:v9+s2+$0x0] =	vst.idx.add.s32.msk $0xffff, v1  }
0x9d: {  	[tilespmem:v8+s2+$0x0] =	vst.idx.add.s32.msk $0xffff, v1  }
0x9e: {  	[tilespmem:v7+s2+$0x0] =	vst.idx.add.s32.msk $0xffff, v1  }
0x9f: {  	[tilespmem:v6+s2+$0x0] =	vst.idx.add.s32.msk $0xffff, v1  }
0xa0: {  	[tilespmem:v63+s2+$0x0] =	vst.idx.add.s32.msk $0xffff, v1  }
0xa1: {  	[tilespmem:v62+s2+$0x0] =	vst.idx.add.s32.msk $0xffff, v1  }
0xa2: {  	s24 =	simm.s32 $0x0;
	[tilespmem:v3+s2+$0x0] =	vst.idx.add.s32.msk $0xffff, v1  }
.LBB2_6:
0xa3: {  	s24 =	sadd.s32 $0x10, s24;
	[tilespmem:v2+s2+$0x0] =	vst.idx.add.s32.msk $0xffff, v1;
	s23 =	sadd.s32 $0x100, s23  }
0xa4: {  	v3 =	vld [tilespmem:s23+$0x30];
	p1 =	slt.u32 s24, $0x3F0  }
0xa5: {  	v4 =	vld [tilespmem:s23+$0x40]  }
0xa6: {  	v2 =	vld [tilespmem:s23+$0xFFFFFF80]  }
0xa7: {  	v5 =	vld [tilespmem:s23+$0x70]  }
0xa8: {  	v6 =	vld [tilespmem:s23+$0xFFFFFFD0]  }
0xa9: {  	v7 =	vld [tilespmem:s23+$0xFFFFFFE0]  }
0xaa: {  	v8 =	vld [tilespmem:s23+$0xFFFFFFF0]  }
0xab: {  	v9 =	vld [tilespmem:s23+$0x0]  }
0xac: {  	v10 =	vld [tilespmem:s23+$0x60]  }
0xad: {  	v11 =	vld [tilespmem:s23+$0x50]  }
0xae: {  	[tilespmem:v2+s2+$0x0] =	vst.idx.add.s32.msk $0xffff, v1  }
0xaf: {  	[tilespmem:v5+s2+$0x0] =	vst.idx.add.s32.msk $0xffff, v1  }
0xb0: {  	v2 =	vld [tilespmem:s23+$0xFFFFFF90]  }
0xb1: {  	v5 =	vld [tilespmem:s23+$0xFFFFFFA0]  }
0xb2: {  	v12 =	vld [tilespmem:s23+$0x20]  }
0xb3: {  	v13 =	vld [tilespmem:s23+$0x10]  }
0xb4: {  	[tilespmem:v10+s2+$0x0] =	vst.idx.add.s32.msk $0xffff, v1  }
0xb5: {  	[tilespmem:v11+s2+$0x0] =	vst.idx.add.s32.msk $0xffff, v1  }
0xb6: {  	[tilespmem:v4+s2+$0x0] =	vst.idx.add.s32.msk $0xffff, v1  }
0xb7: {  	[tilespmem:v3+s2+$0x0] =	vst.idx.add.s32.msk $0xffff, v1  }
0xb8: {  	v3 =	vld [tilespmem:s23+$0xFFFFFFC0]  }
0xb9: {  	v4 =	vld [tilespmem:s23+$0xFFFFFFB0]  }
0xba: {  	[tilespmem:v12+s2+$0x0] =	vst.idx.add.s32.msk $0xffff, v1  }
0xbb: {  	[tilespmem:v13+s2+$0x0] =	vst.idx.add.s32.msk $0xffff, v1  }
0xbc: {  	[tilespmem:v9+s2+$0x0] =	vst.idx.add.s32.msk $0xffff, v1  }
0xbd: {  	[tilespmem:v8+s2+$0x0] =	vst.idx.add.s32.msk $0xffff, v1  }
.Ltmp4:
0xbe: {  	[tilespmem:v7+s2+$0x0] =	vst.idx.add.s32.msk $0xffff, v1;
	(pc) =	sbr.rel @p1 .LBB2_6-.Ltmp4, $4  }
0xbf: {  	[tilespmem:v6+s2+$0x0] =	vst.idx.add.s32.msk $0xffff, v1  }
0xc0: {  	[tilespmem:v3+s2+$0x0] =	vst.idx.add.s32.msk $0xffff, v1  }
0xc1: {  	[tilespmem:v4+s2+$0x0] =	vst.idx.add.s32.msk $0xffff, v1  }
0xc2: {  	[tilespmem:v5+s2+$0x0] =	vst.idx.add.s32.msk $0xffff, v1  }
0xc3: {  	_ =	sdelay $0x3  }
0xc4: {  	[tilespmem:v2+s2+$0x0] =	vst.idx.add.s32.msk $0xffff, v1  }
0xc5: {  	_ =	swait.ge [sflag:s17], $0x4000  }
0xc6: {  	[sflag:s17] =	ssyncset.done $0x0  }
0xc7: {  	s23 =	simm.s32 $0x14080;
	[sflag:s17] =	ssyncadd.s32 $0xFFFFC000  }
0xc8: {  	[tilespmem:s18], [sflag:$0x2] =	stream.strided.gather [hbm4b:s6+s14], $0x4000, s15, s14, $0x38;
	[tilespmem:$0x1C000] =	vst v63  }
0xc9: {  	v3 =	vld [tilespmem:s23+$0x30]  }
0xca: {  	v4 =	vld [tilespmem:s23+$0x40]  }
0xcb: {  	v2 =	vld [tilespmem:s23+$0xFFFFFF80]  }
0xcc: {  	v5 =	vld [tilespmem:s23+$0x70]  }
0xcd: {  	v6 =	vld [tilespmem:s23+$0xFFFFFFD0]  }
0xce: {  	v7 =	vld [tilespmem:s23+$0xFFFFFFE0]  }
0xcf: {  	v8 =	vld [tilespmem:s23+$0xFFFFFFF0]  }
0xd0: {  	v9 =	vld [tilespmem:s23+$0x0]  }
0xd1: {  	v10 =	vld [tilespmem:s23+$0x60]  }
0xd2: {  	v11 =	vld [tilespmem:s23+$0x50]  }
0xd3: {  	v62 =	vld [tilespmem:s23+$0xFFFFFFA0]  }
0xd4: {  	v12 =	vld [tilespmem:s23+$0x20]  }
0xd5: {  	v13 =	vld [tilespmem:s23+$0x10]  }
0xd6: {  	v63 =	vld [tilespmem:s23+$0xFFFFFFB0]  }
0xd7: {  	[tilespmem:v2+s2+$0x0] =	vst.idx.add.s32.msk $0xffff, v1  }
0xd8: {  	[tilespmem:v5+s2+$0x0] =	vst.idx.add.s32.msk $0xffff, v1  }
0xd9: {  	v2 =	vld [tilespmem:s23+$0xFFFFFF90]  }
0xda: {  	[tilespmem:v10+s2+$0x0] =	vst.idx.add.s32.msk $0xffff, v1  }
0xdb: {  	[tilespmem:v11+s2+$0x0] =	vst.idx.add.s32.msk $0xffff, v1  }
0xdc: {  	[tilespmem:v4+s2+$0x0] =	vst.idx.add.s32.msk $0xffff, v1  }
0xdd: {  	[tilespmem:v3+s2+$0x0] =	vst.idx.add.s32.msk $0xffff, v1  }
0xde: {  	v3 =	vld [tilespmem:s23+$0xFFFFFFC0]  }
0xdf: {  	[tilespmem:v12+s2+$0x0] =	vst.idx.add.s32.msk $0xffff, v1  }
0xe0: {  	[tilespmem:v13+s2+$0x0] =	vst.idx.add.s32.msk $0xffff, v1  }
0xe1: {  	[tilespmem:v9+s2+$0x0] =	vst.idx.add.s32.msk $0xffff, v1  }
0xe2: {  	[tilespmem:v8+s2+$0x0] =	vst.idx.add.s32.msk $0xffff, v1  }
0xe3: {  	[tilespmem:v7+s2+$0x0] =	vst.idx.add.s32.msk $0xffff, v1  }
0xe4: {  	[tilespmem:v6+s2+$0x0] =	vst.idx.add.s32.msk $0xffff, v1  }
0xe5: {  	[tilespmem:v63+s2+$0x0] =	vst.idx.add.s32.msk $0xffff, v1  }
0xe6: {  	[tilespmem:v62+s2+$0x0] =	vst.idx.add.s32.msk $0xffff, v1  }
0xe7: {  	s24 =	simm.s32 $0x0;
	[tilespmem:v3+s2+$0x0] =	vst.idx.add.s32.msk $0xffff, v1  }
.LBB2_8:
0xe8: {  	s24 =	sadd.s32 $0x10, s24;
	[tilespmem:v2+s2+$0x0] =	vst.idx.add.s32.msk $0xffff, v1;
	s23 =	sadd.s32 $0x100, s23  }
0xe9: {  	v3 =	vld [tilespmem:s23+$0x30];
	p1 =	slt.u32 s24, $0x3F0  }
0xea: {  	v4 =	vld [tilespmem:s23+$0x40]  }
0xeb: {  	v2 =	vld [tilespmem:s23+$0xFFFFFF80]  }
0xec: {  	v5 =	vld [tilespmem:s23+$0x70]  }
0xed: {  	v6 =	vld [tilespmem:s23+$0xFFFFFFD0]  }
0xee: {  	v7 =	vld [tilespmem:s23+$0xFFFFFFE0]  }
0xef: {  	v8 =	vld [tilespmem:s23+$0xFFFFFFF0]  }
0xf0: {  	v9 =	vld [tilespmem:s23+$0x0]  }
0xf1: {  	v10 =	vld [tilespmem:s23+$0x60]  }
0xf2: {  	v11 =	vld [tilespmem:s23+$0x50]  }
0xf3: {  	[tilespmem:v2+s2+$0x0] =	vst.idx.add.s32.msk $0xffff, v1  }
0xf4: {  	[tilespmem:v5+s2+$0x0] =	vst.idx.add.s32.msk $0xffff, v1  }
0xf5: {  	v2 =	vld [tilespmem:s23+$0xFFFFFF90]  }
0xf6: {  	v5 =	vld [tilespmem:s23+$0xFFFFFFA0]  }
0xf7: {  	v12 =	vld [tilespmem:s23+$0x20]  }
0xf8: {  	v13 =	vld [tilespmem:s23+$0x10]  }
0xf9: {  	[tilespmem:v10+s2+$0x0] =	vst.idx.add.s32.msk $0xffff, v1  }
0xfa: {  	[tilespmem:v11+s2+$0x0] =	vst.idx.add.s32.msk $0xffff, v1  }
0xfb: {  	[tilespmem:v4+s2+$0x0] =	vst.idx.add.s32.msk $0xffff, v1  }
0xfc: {  	[tilespmem:v3+s2+$0x0] =	vst.idx.add.s32.msk $0xffff, v1  }
0xfd: {  	v3 =	vld [tilespmem:s23+$0xFFFFFFC0]  }
0xfe: {  	v4 =	vld [tilespmem:s23+$0xFFFFFFB0]  }
0xff: {  	[tilespmem:v12+s2+$0x0] =	vst.idx.add.s32.msk $0xffff, v1  }
0x100: {  	[tilespmem:v13+s2+$0x0] =	vst.idx.add.s32.msk $0xffff, v1  }
0x101: {  	[tilespmem:v9+s2+$0x0] =	vst.idx.add.s32.msk $0xffff, v1  }
0x102: {  	[tilespmem:v8+s2+$0x0] =	vst.idx.add.s32.msk $0xffff, v1  }
.Ltmp5:
0x103: {  	[tilespmem:v7+s2+$0x0] =	vst.idx.add.s32.msk $0xffff, v1;
	(pc) =	sbr.rel @p1 .LBB2_8-.Ltmp5, $4  }
0x104: {  	[tilespmem:v6+s2+$0x0] =	vst.idx.add.s32.msk $0xffff, v1  }
0x105: {  	[tilespmem:v3+s2+$0x0] =	vst.idx.add.s32.msk $0xffff, v1  }
0x106: {  	[tilespmem:v4+s2+$0x0] =	vst.idx.add.s32.msk $0xffff, v1  }
0x107: {  	[tilespmem:v5+s2+$0x0] =	vst.idx.add.s32.msk $0xffff, v1  }
0x108: {  	_ =	sdelay $0x3  }
0x109: {  	[tilespmem:v2+s2+$0x0] =	vst.idx.add.s32.msk $0xffff, v1  }
0x10a: {  	_ =	swait.ge [sflag:s19], $0x4000  }
0x10b: {  	[sflag:s19] =	ssyncset.done $0x0  }
0x10c: {  	s23 =	simm.s32 $0x18080;
	[sflag:s19] =	ssyncadd.s32 $0xFFFFC000  }
0x10d: {  	[tilespmem:s16], [sflag:$0x1] =	stream.strided.gather [hbm4b:s7+s14], $0x4000, s15, s14, $0x38;
	[tilespmem:$0x1C000] =	vst v63  }
0x10e: {  	v3 =	vld [tilespmem:s23+$0x30]  }
0x10f: {  	v4 =	vld [tilespmem:s23+$0x40]  }
0x110: {  	v2 =	vld [tilespmem:s23+$0xFFFFFF80]  }
0x111: {  	v5 =	vld [tilespmem:s23+$0x70]  }
0x112: {  	v6 =	vld [tilespmem:s23+$0xFFFFFFD0]  }
0x113: {  	v7 =	vld [tilespmem:s23+$0xFFFFFFE0]  }
0x114: {  	v8 =	vld [tilespmem:s23+$0xFFFFFFF0]  }
0x115: {  	v9 =	vld [tilespmem:s23+$0x0]  }
0x116: {  	v10 =	vld [tilespmem:s23+$0x60]  }
0x117: {  	v11 =	vld [tilespmem:s23+$0x50]  }
0x118: {  	v62 =	vld [tilespmem:s23+$0xFFFFFFA0]  }
0x119: {  	v12 =	vld [tilespmem:s23+$0x20]  }
0x11a: {  	v13 =	vld [tilespmem:s23+$0x10]  }
0x11b: {  	v63 =	vld [tilespmem:s23+$0xFFFFFFB0]  }
0x11c: {  	[tilespmem:v2+s2+$0x0] =	vst.idx.add.s32.msk $0xffff, v1  }
0x11d: {  	[tilespmem:v5+s2+$0x0] =	vst.idx.add.s32.msk $0xffff, v1  }
0x11e: {  	v2 =	vld [tilespmem:s23+$0xFFFFFF90]  }
0x11f: {  	[tilespmem:v10+s2+$0x0] =	vst.idx.add.s32.msk $0xffff, v1  }
0x120: {  	[tilespmem:v11+s2+$0x0] =	vst.idx.add.s32.msk $0xffff, v1  }
0x121: {  	[tilespmem:v4+s2+$0x0] =	vst.idx.add.s32.msk $0xffff, v1  }
0x122: {  	[tilespmem:v3+s2+$0x0] =	vst.idx.add.s32.msk $0xffff, v1  }
0x123: {  	v3 =	vld [tilespmem:s23+$0xFFFFFFC0]  }
0x124: {  	[tilespmem:v12+s2+$0x0] =	vst.idx.add.s32.msk $0xffff, v1  }
0x125: {  	[tilespmem:v13+s2+$0x0] =	vst.idx.add.s32.msk $0xffff, v1  }
0x126: {  	[tilespmem:v9+s2+$0x0] =	vst.idx.add.s32.msk $0xffff, v1  }
0x127: {  	[tilespmem:v8+s2+$0x0] =	vst.idx.add.s32.msk $0xffff, v1  }
0x128: {  	[tilespmem:v7+s2+$0x0] =	vst.idx.add.s32.msk $0xffff, v1  }
0x129: {  	[tilespmem:v6+s2+$0x0] =	vst.idx.add.s32.msk $0xffff, v1  }
0x12a: {  	[tilespmem:v63+s2+$0x0] =	vst.idx.add.s32.msk $0xffff, v1  }
0x12b: {  	[tilespmem:v62+s2+$0x0] =	vst.idx.add.s32.msk $0xffff, v1  }
0x12c: {  	s24 =	simm.s32 $0x0;
	[tilespmem:v3+s2+$0x0] =	vst.idx.add.s32.msk $0xffff, v1  }
.LBB2_10:
0x12d: {  	s24 =	sadd.s32 $0x10, s24;
	[tilespmem:v2+s2+$0x0] =	vst.idx.add.s32.msk $0xffff, v1;
	s23 =	sadd.s32 $0x100, s23  }
0x12e: {  	v3 =	vld [tilespmem:s23+$0x30];
	p1 =	slt.u32 s24, $0x3F0  }
0x12f: {  	v4 =	vld [tilespmem:s23+$0x40]  }
0x130: {  	v2 =	vld [tilespmem:s23+$0xFFFFFF80]  }
0x131: {  	v5 =	vld [tilespmem:s23+$0x70]  }
0x132: {  	v6 =	vld [tilespmem:s23+$0xFFFFFFD0]  }
0x133: {  	v7 =	vld [tilespmem:s23+$0xFFFFFFE0]  }
0x134: {  	v8 =	vld [tilespmem:s23+$0xFFFFFFF0]  }
0x135: {  	v9 =	vld [tilespmem:s23+$0x0]  }
0x136: {  	v10 =	vld [tilespmem:s23+$0x60]  }
0x137: {  	v11 =	vld [tilespmem:s23+$0x50]  }
0x138: {  	[tilespmem:v2+s2+$0x0] =	vst.idx.add.s32.msk $0xffff, v1  }
0x139: {  	[tilespmem:v5+s2+$0x0] =	vst.idx.add.s32.msk $0xffff, v1  }
0x13a: {  	v2 =	vld [tilespmem:s23+$0xFFFFFF90]  }
0x13b: {  	v5 =	vld [tilespmem:s23+$0xFFFFFFA0]  }
0x13c: {  	v12 =	vld [tilespmem:s23+$0x20]  }
0x13d: {  	v13 =	vld [tilespmem:s23+$0x10]  }
0x13e: {  	[tilespmem:v10+s2+$0x0] =	vst.idx.add.s32.msk $0xffff, v1  }
0x13f: {  	[tilespmem:v11+s2+$0x0] =	vst.idx.add.s32.msk $0xffff, v1  }
0x140: {  	[tilespmem:v4+s2+$0x0] =	vst.idx.add.s32.msk $0xffff, v1  }
0x141: {  	[tilespmem:v3+s2+$0x0] =	vst.idx.add.s32.msk $0xffff, v1  }
0x142: {  	v3 =	vld [tilespmem:s23+$0xFFFFFFC0]  }
0x143: {  	v4 =	vld [tilespmem:s23+$0xFFFFFFB0]  }
0x144: {  	[tilespmem:v12+s2+$0x0] =	vst.idx.add.s32.msk $0xffff, v1  }
0x145: {  	[tilespmem:v13+s2+$0x0] =	vst.idx.add.s32.msk $0xffff, v1  }
0x146: {  	[tilespmem:v9+s2+$0x0] =	vst.idx.add.s32.msk $0xffff, v1  }
0x147: {  	[tilespmem:v8+s2+$0x0] =	vst.idx.add.s32.msk $0xffff, v1  }
.Ltmp6:
0x148: {  	[tilespmem:v7+s2+$0x0] =	vst.idx.add.s32.msk $0xffff, v1;
	(pc) =	sbr.rel @p1 .LBB2_10-.Ltmp6, $4  }
0x149: {  	[tilespmem:v6+s2+$0x0] =	vst.idx.add.s32.msk $0xffff, v1  }
0x14a: {  	[tilespmem:v3+s2+$0x0] =	vst.idx.add.s32.msk $0xffff, v1  }
0x14b: {  	[tilespmem:v4+s2+$0x0] =	vst.idx.add.s32.msk $0xffff, v1  }
0x14c: {  	[tilespmem:v5+s2+$0x0] =	vst.idx.add.s32.msk $0xffff, v1  }
0x14d: {  	_ =	sdelay $0x3  }
0x14e: {  	[tilespmem:v2+s2+$0x0] =	vst.idx.add.s32.msk $0xffff, v1  }
0x14f: {  	_ =	swait.ge [sflag:s17], $0x4000  }
0x150: {  	[sflag:s17] =	ssyncset.done $0x0  }
0x151: {  	s23 =	simm.s32 $0x14080;
	[sflag:s17] =	ssyncadd.s32 $0xFFFFC000  }
0x152: {  	[tilespmem:s18], [sflag:$0x2] =	stream.strided.gather [hbm4b:s8+s14], $0x4000, s15, s14, $0x38;
	[tilespmem:$0x1C000] =	vst v63  }
0x153: {  	v3 =	vld [tilespmem:s23+$0x30]  }
0x154: {  	v4 =	vld [tilespmem:s23+$0x40]  }
0x155: {  	v2 =	vld [tilespmem:s23+$0xFFFFFF80]  }
0x156: {  	v5 =	vld [tilespmem:s23+$0x70]  }
0x157: {  	v6 =	vld [tilespmem:s23+$0xFFFFFFD0]  }
0x158: {  	v7 =	vld [tilespmem:s23+$0xFFFFFFE0]  }
0x159: {  	v8 =	vld [tilespmem:s23+$0xFFFFFFF0]  }
0x15a: {  	v9 =	vld [tilespmem:s23+$0x0]  }
0x15b: {  	v10 =	vld [tilespmem:s23+$0x60]  }
0x15c: {  	v11 =	vld [tilespmem:s23+$0x50]  }
0x15d: {  	v62 =	vld [tilespmem:s23+$0xFFFFFFA0]  }
0x15e: {  	v12 =	vld [tilespmem:s23+$0x20]  }
0x15f: {  	v13 =	vld [tilespmem:s23+$0x10]  }
0x160: {  	v63 =	vld [tilespmem:s23+$0xFFFFFFB0]  }
0x161: {  	[tilespmem:v2+s2+$0x0] =	vst.idx.add.s32.msk $0xffff, v1  }
0x162: {  	[tilespmem:v5+s2+$0x0] =	vst.idx.add.s32.msk $0xffff, v1  }
0x163: {  	v2 =	vld [tilespmem:s23+$0xFFFFFF90]  }
0x164: {  	[tilespmem:v10+s2+$0x0] =	vst.idx.add.s32.msk $0xffff, v1  }
0x165: {  	[tilespmem:v11+s2+$0x0] =	vst.idx.add.s32.msk $0xffff, v1  }
0x166: {  	[tilespmem:v4+s2+$0x0] =	vst.idx.add.s32.msk $0xffff, v1  }
0x167: {  	[tilespmem:v3+s2+$0x0] =	vst.idx.add.s32.msk $0xffff, v1  }
0x168: {  	v3 =	vld [tilespmem:s23+$0xFFFFFFC0]  }
0x169: {  	[tilespmem:v12+s2+$0x0] =	vst.idx.add.s32.msk $0xffff, v1  }
0x16a: {  	[tilespmem:v13+s2+$0x0] =	vst.idx.add.s32.msk $0xffff, v1  }
0x16b: {  	[tilespmem:v9+s2+$0x0] =	vst.idx.add.s32.msk $0xffff, v1  }
0x16c: {  	[tilespmem:v8+s2+$0x0] =	vst.idx.add.s32.msk $0xffff, v1  }
0x16d: {  	[tilespmem:v7+s2+$0x0] =	vst.idx.add.s32.msk $0xffff, v1  }
0x16e: {  	[tilespmem:v6+s2+$0x0] =	vst.idx.add.s32.msk $0xffff, v1  }
0x16f: {  	[tilespmem:v63+s2+$0x0] =	vst.idx.add.s32.msk $0xffff, v1  }
0x170: {  	[tilespmem:v62+s2+$0x0] =	vst.idx.add.s32.msk $0xffff, v1  }
0x171: {  	s24 =	simm.s32 $0x0;
	[tilespmem:v3+s2+$0x0] =	vst.idx.add.s32.msk $0xffff, v1  }
.LBB2_12:
0x172: {  	s24 =	sadd.s32 $0x10, s24;
	[tilespmem:v2+s2+$0x0] =	vst.idx.add.s32.msk $0xffff, v1;
	s23 =	sadd.s32 $0x100, s23  }
0x173: {  	v3 =	vld [tilespmem:s23+$0x30];
	p1 =	slt.u32 s24, $0x3F0  }
0x174: {  	v4 =	vld [tilespmem:s23+$0x40]  }
0x175: {  	v2 =	vld [tilespmem:s23+$0xFFFFFF80]  }
0x176: {  	v5 =	vld [tilespmem:s23+$0x70]  }
0x177: {  	v6 =	vld [tilespmem:s23+$0xFFFFFFD0]  }
0x178: {  	v7 =	vld [tilespmem:s23+$0xFFFFFFE0]  }
0x179: {  	v8 =	vld [tilespmem:s23+$0xFFFFFFF0]  }
0x17a: {  	v9 =	vld [tilespmem:s23+$0x0]  }
0x17b: {  	v10 =	vld [tilespmem:s23+$0x60]  }
0x17c: {  	v11 =	vld [tilespmem:s23+$0x50]  }
0x17d: {  	[tilespmem:v2+s2+$0x0] =	vst.idx.add.s32.msk $0xffff, v1  }
0x17e: {  	[tilespmem:v5+s2+$0x0] =	vst.idx.add.s32.msk $0xffff, v1  }
0x17f: {  	v2 =	vld [tilespmem:s23+$0xFFFFFF90]  }
0x180: {  	v5 =	vld [tilespmem:s23+$0xFFFFFFA0]  }
0x181: {  	v12 =	vld [tilespmem:s23+$0x20]  }
0x182: {  	v13 =	vld [tilespmem:s23+$0x10]  }
0x183: {  	[tilespmem:v10+s2+$0x0] =	vst.idx.add.s32.msk $0xffff, v1  }
0x184: {  	[tilespmem:v11+s2+$0x0] =	vst.idx.add.s32.msk $0xffff, v1  }
0x185: {  	[tilespmem:v4+s2+$0x0] =	vst.idx.add.s32.msk $0xffff, v1  }
0x186: {  	[tilespmem:v3+s2+$0x0] =	vst.idx.add.s32.msk $0xffff, v1  }
0x187: {  	v3 =	vld [tilespmem:s23+$0xFFFFFFC0]  }
0x188: {  	v4 =	vld [tilespmem:s23+$0xFFFFFFB0]  }
0x189: {  	[tilespmem:v12+s2+$0x0] =	vst.idx.add.s32.msk $0xffff, v1  }
0x18a: {  	[tilespmem:v13+s2+$0x0] =	vst.idx.add.s32.msk $0xffff, v1  }
0x18b: {  	[tilespmem:v9+s2+$0x0] =	vst.idx.add.s32.msk $0xffff, v1  }
0x18c: {  	[tilespmem:v8+s2+$0x0] =	vst.idx.add.s32.msk $0xffff, v1  }
.Ltmp7:
0x18d: {  	[tilespmem:v7+s2+$0x0] =	vst.idx.add.s32.msk $0xffff, v1;
	(pc) =	sbr.rel @p1 .LBB2_12-.Ltmp7, $4  }
0x18e: {  	[tilespmem:v6+s2+$0x0] =	vst.idx.add.s32.msk $0xffff, v1  }
0x18f: {  	[tilespmem:v3+s2+$0x0] =	vst.idx.add.s32.msk $0xffff, v1  }
0x190: {  	[tilespmem:v4+s2+$0x0] =	vst.idx.add.s32.msk $0xffff, v1  }
0x191: {  	[tilespmem:v5+s2+$0x0] =	vst.idx.add.s32.msk $0xffff, v1  }
0x192: {  	_ =	sdelay $0x3  }
0x193: {  	[tilespmem:v2+s2+$0x0] =	vst.idx.add.s32.msk $0xffff, v1  }
0x194: {  	_ =	swait.ge [sflag:s19], $0x4000  }
0x195: {  	[sflag:s19] =	ssyncset.done $0x0  }
0x196: {  	s23 =	simm.s32 $0x18080;
	[sflag:s19] =	ssyncadd.s32 $0xFFFFC000  }
0x197: {  	[tilespmem:s16], [sflag:$0x1] =	stream.strided.gather [hbm4b:s9+s14], $0x4000, s15, s14, $0x38;
	[tilespmem:$0x1C000] =	vst v63  }
0x198: {  	v3 =	vld [tilespmem:s23+$0x30]  }
0x199: {  	v4 =	vld [tilespmem:s23+$0x40]  }
0x19a: {  	v2 =	vld [tilespmem:s23+$0xFFFFFF80]  }
0x19b: {  	v5 =	vld [tilespmem:s23+$0x70]  }
0x19c: {  	v6 =	vld [tilespmem:s23+$0xFFFFFFD0]  }
0x19d: {  	v7 =	vld [tilespmem:s23+$0xFFFFFFE0]  }
0x19e: {  	v8 =	vld [tilespmem:s23+$0xFFFFFFF0]  }
0x19f: {  	v9 =	vld [tilespmem:s23+$0x0]  }
0x1a0: {  	v10 =	vld [tilespmem:s23+$0x60]  }
0x1a1: {  	v11 =	vld [tilespmem:s23+$0x50]  }
0x1a2: {  	v62 =	vld [tilespmem:s23+$0xFFFFFFA0]  }
0x1a3: {  	v12 =	vld [tilespmem:s23+$0x20]  }
0x1a4: {  	v13 =	vld [tilespmem:s23+$0x10]  }
0x1a5: {  	v63 =	vld [tilespmem:s23+$0xFFFFFFB0]  }
0x1a6: {  	[tilespmem:v2+s2+$0x0] =	vst.idx.add.s32.msk $0xffff, v1  }
0x1a7: {  	[tilespmem:v5+s2+$0x0] =	vst.idx.add.s32.msk $0xffff, v1  }
0x1a8: {  	v2 =	vld [tilespmem:s23+$0xFFFFFF90]  }
0x1a9: {  	[tilespmem:v10+s2+$0x0] =	vst.idx.add.s32.msk $0xffff, v1  }
0x1aa: {  	[tilespmem:v11+s2+$0x0] =	vst.idx.add.s32.msk $0xffff, v1  }
0x1ab: {  	[tilespmem:v4+s2+$0x0] =	vst.idx.add.s32.msk $0xffff, v1  }
0x1ac: {  	[tilespmem:v3+s2+$0x0] =	vst.idx.add.s32.msk $0xffff, v1  }
0x1ad: {  	v3 =	vld [tilespmem:s23+$0xFFFFFFC0]  }
0x1ae: {  	[tilespmem:v12+s2+$0x0] =	vst.idx.add.s32.msk $0xffff, v1  }
0x1af: {  	[tilespmem:v13+s2+$0x0] =	vst.idx.add.s32.msk $0xffff, v1  }
0x1b0: {  	[tilespmem:v9+s2+$0x0] =	vst.idx.add.s32.msk $0xffff, v1  }
0x1b1: {  	[tilespmem:v8+s2+$0x0] =	vst.idx.add.s32.msk $0xffff, v1  }
0x1b2: {  	[tilespmem:v7+s2+$0x0] =	vst.idx.add.s32.msk $0xffff, v1  }
0x1b3: {  	[tilespmem:v6+s2+$0x0] =	vst.idx.add.s32.msk $0xffff, v1  }
0x1b4: {  	[tilespmem:v63+s2+$0x0] =	vst.idx.add.s32.msk $0xffff, v1  }
0x1b5: {  	[tilespmem:v62+s2+$0x0] =	vst.idx.add.s32.msk $0xffff, v1  }
0x1b6: {  	s24 =	simm.s32 $0x0;
	[tilespmem:v3+s2+$0x0] =	vst.idx.add.s32.msk $0xffff, v1  }
.LBB2_14:
0x1b7: {  	s24 =	sadd.s32 $0x10, s24;
	[tilespmem:v2+s2+$0x0] =	vst.idx.add.s32.msk $0xffff, v1;
	s23 =	sadd.s32 $0x100, s23  }
0x1b8: {  	v3 =	vld [tilespmem:s23+$0x30];
	p1 =	slt.u32 s24, $0x3F0  }
0x1b9: {  	v4 =	vld [tilespmem:s23+$0x40]  }
0x1ba: {  	v2 =	vld [tilespmem:s23+$0xFFFFFF80]  }
0x1bb: {  	v5 =	vld [tilespmem:s23+$0x70]  }
0x1bc: {  	v6 =	vld [tilespmem:s23+$0xFFFFFFD0]  }
0x1bd: {  	v7 =	vld [tilespmem:s23+$0xFFFFFFE0]  }
0x1be: {  	v8 =	vld [tilespmem:s23+$0xFFFFFFF0]  }
0x1bf: {  	v9 =	vld [tilespmem:s23+$0x0]  }
0x1c0: {  	v10 =	vld [tilespmem:s23+$0x60]  }
0x1c1: {  	v11 =	vld [tilespmem:s23+$0x50]  }
0x1c2: {  	[tilespmem:v2+s2+$0x0] =	vst.idx.add.s32.msk $0xffff, v1  }
0x1c3: {  	[tilespmem:v5+s2+$0x0] =	vst.idx.add.s32.msk $0xffff, v1  }
0x1c4: {  	v2 =	vld [tilespmem:s23+$0xFFFFFF90]  }
0x1c5: {  	v5 =	vld [tilespmem:s23+$0xFFFFFFA0]  }
0x1c6: {  	v12 =	vld [tilespmem:s23+$0x20]  }
0x1c7: {  	v13 =	vld [tilespmem:s23+$0x10]  }
0x1c8: {  	[tilespmem:v10+s2+$0x0] =	vst.idx.add.s32.msk $0xffff, v1  }
0x1c9: {  	[tilespmem:v11+s2+$0x0] =	vst.idx.add.s32.msk $0xffff, v1  }
0x1ca: {  	[tilespmem:v4+s2+$0x0] =	vst.idx.add.s32.msk $0xffff, v1  }
0x1cb: {  	[tilespmem:v3+s2+$0x0] =	vst.idx.add.s32.msk $0xffff, v1  }
0x1cc: {  	v3 =	vld [tilespmem:s23+$0xFFFFFFC0]  }
0x1cd: {  	v4 =	vld [tilespmem:s23+$0xFFFFFFB0]  }
0x1ce: {  	[tilespmem:v12+s2+$0x0] =	vst.idx.add.s32.msk $0xffff, v1  }
0x1cf: {  	[tilespmem:v13+s2+$0x0] =	vst.idx.add.s32.msk $0xffff, v1  }
0x1d0: {  	[tilespmem:v9+s2+$0x0] =	vst.idx.add.s32.msk $0xffff, v1  }
0x1d1: {  	[tilespmem:v8+s2+$0x0] =	vst.idx.add.s32.msk $0xffff, v1  }
.Ltmp8:
0x1d2: {  	[tilespmem:v7+s2+$0x0] =	vst.idx.add.s32.msk $0xffff, v1;
	(pc) =	sbr.rel @p1 .LBB2_14-.Ltmp8, $4  }
0x1d3: {  	[tilespmem:v6+s2+$0x0] =	vst.idx.add.s32.msk $0xffff, v1  }
0x1d4: {  	[tilespmem:v3+s2+$0x0] =	vst.idx.add.s32.msk $0xffff, v1  }
0x1d5: {  	[tilespmem:v4+s2+$0x0] =	vst.idx.add.s32.msk $0xffff, v1  }
0x1d6: {  	[tilespmem:v5+s2+$0x0] =	vst.idx.add.s32.msk $0xffff, v1  }
0x1d7: {  	_ =	sdelay $0x3  }
0x1d8: {  	[tilespmem:v2+s2+$0x0] =	vst.idx.add.s32.msk $0xffff, v1  }
0x1d9: {  	_ =	swait.ge [sflag:s17], $0x4000  }
0x1da: {  	[sflag:s17] =	ssyncset.done $0x0  }
0x1db: {  	s23 =	simm.s32 $0x14080;
	[sflag:s17] =	ssyncadd.s32 $0xFFFFC000  }
0x1dc: {  	[tilespmem:s18], [sflag:$0x2] =	stream.strided.gather [hbm4b:s10+s14], $0x4000, s15, s14, $0x38;
	[tilespmem:$0x1C000] =	vst v63  }
0x1dd: {  	v3 =	vld [tilespmem:s23+$0x30]  }
0x1de: {  	v4 =	vld [tilespmem:s23+$0x40]  }
0x1df: {  	v2 =	vld [tilespmem:s23+$0xFFFFFF80]  }
0x1e0: {  	v5 =	vld [tilespmem:s23+$0x70]  }
0x1e1: {  	v6 =	vld [tilespmem:s23+$0xFFFFFFD0]  }
0x1e2: {  	v7 =	vld [tilespmem:s23+$0xFFFFFFE0]  }
0x1e3: {  	v8 =	vld [tilespmem:s23+$0xFFFFFFF0]  }
0x1e4: {  	v9 =	vld [tilespmem:s23+$0x0]  }
0x1e5: {  	v10 =	vld [tilespmem:s23+$0x60]  }
0x1e6: {  	v11 =	vld [tilespmem:s23+$0x50]  }
0x1e7: {  	v62 =	vld [tilespmem:s23+$0xFFFFFFA0]  }
0x1e8: {  	v12 =	vld [tilespmem:s23+$0x20]  }
0x1e9: {  	v13 =	vld [tilespmem:s23+$0x10]  }
0x1ea: {  	v63 =	vld [tilespmem:s23+$0xFFFFFFB0]  }
0x1eb: {  	[tilespmem:v2+s2+$0x0] =	vst.idx.add.s32.msk $0xffff, v1  }
0x1ec: {  	[tilespmem:v5+s2+$0x0] =	vst.idx.add.s32.msk $0xffff, v1  }
0x1ed: {  	v2 =	vld [tilespmem:s23+$0xFFFFFF90]  }
0x1ee: {  	[tilespmem:v10+s2+$0x0] =	vst.idx.add.s32.msk $0xffff, v1  }
0x1ef: {  	[tilespmem:v11+s2+$0x0] =	vst.idx.add.s32.msk $0xffff, v1  }
0x1f0: {  	[tilespmem:v4+s2+$0x0] =	vst.idx.add.s32.msk $0xffff, v1  }
0x1f1: {  	[tilespmem:v3+s2+$0x0] =	vst.idx.add.s32.msk $0xffff, v1  }
0x1f2: {  	v3 =	vld [tilespmem:s23+$0xFFFFFFC0]  }
0x1f3: {  	[tilespmem:v12+s2+$0x0] =	vst.idx.add.s32.msk $0xffff, v1  }
0x1f4: {  	[tilespmem:v13+s2+$0x0] =	vst.idx.add.s32.msk $0xffff, v1  }
0x1f5: {  	[tilespmem:v9+s2+$0x0] =	vst.idx.add.s32.msk $0xffff, v1  }
0x1f6: {  	[tilespmem:v8+s2+$0x0] =	vst.idx.add.s32.msk $0xffff, v1  }
0x1f7: {  	[tilespmem:v7+s2+$0x0] =	vst.idx.add.s32.msk $0xffff, v1  }
0x1f8: {  	[tilespmem:v6+s2+$0x0] =	vst.idx.add.s32.msk $0xffff, v1  }
0x1f9: {  	[tilespmem:v63+s2+$0x0] =	vst.idx.add.s32.msk $0xffff, v1  }
0x1fa: {  	[tilespmem:v62+s2+$0x0] =	vst.idx.add.s32.msk $0xffff, v1  }
0x1fb: {  	s24 =	simm.s32 $0x0;
	[tilespmem:v3+s2+$0x0] =	vst.idx.add.s32.msk $0xffff, v1  }
.LBB2_16:
0x1fc: {  	s24 =	sadd.s32 $0x10, s24;
	[tilespmem:v2+s2+$0x0] =	vst.idx.add.s32.msk $0xffff, v1;
	s23 =	sadd.s32 $0x100, s23  }
0x1fd: {  	v3 =	vld [tilespmem:s23+$0x30];
	p1 =	slt.u32 s24, $0x3F0  }
0x1fe: {  	v4 =	vld [tilespmem:s23+$0x40]  }
0x1ff: {  	v2 =	vld [tilespmem:s23+$0xFFFFFF80]  }
0x200: {  	v5 =	vld [tilespmem:s23+$0x70]  }
0x201: {  	v6 =	vld [tilespmem:s23+$0xFFFFFFD0]  }
0x202: {  	v7 =	vld [tilespmem:s23+$0xFFFFFFE0]  }
0x203: {  	v8 =	vld [tilespmem:s23+$0xFFFFFFF0]  }
0x204: {  	v9 =	vld [tilespmem:s23+$0x0]  }
0x205: {  	v10 =	vld [tilespmem:s23+$0x60]  }
0x206: {  	v11 =	vld [tilespmem:s23+$0x50]  }
0x207: {  	[tilespmem:v2+s2+$0x0] =	vst.idx.add.s32.msk $0xffff, v1  }
0x208: {  	[tilespmem:v5+s2+$0x0] =	vst.idx.add.s32.msk $0xffff, v1  }
0x209: {  	v2 =	vld [tilespmem:s23+$0xFFFFFF90]  }
0x20a: {  	v5 =	vld [tilespmem:s23+$0xFFFFFFA0]  }
0x20b: {  	v12 =	vld [tilespmem:s23+$0x20]  }
0x20c: {  	v13 =	vld [tilespmem:s23+$0x10]  }
0x20d: {  	[tilespmem:v10+s2+$0x0] =	vst.idx.add.s32.msk $0xffff, v1  }
0x20e: {  	[tilespmem:v11+s2+$0x0] =	vst.idx.add.s32.msk $0xffff, v1  }
0x20f: {  	[tilespmem:v4+s2+$0x0] =	vst.idx.add.s32.msk $0xffff, v1  }
0x210: {  	[tilespmem:v3+s2+$0x0] =	vst.idx.add.s32.msk $0xffff, v1  }
0x211: {  	v3 =	vld [tilespmem:s23+$0xFFFFFFC0]  }
0x212: {  	v4 =	vld [tilespmem:s23+$0xFFFFFFB0]  }
0x213: {  	[tilespmem:v12+s2+$0x0] =	vst.idx.add.s32.msk $0xffff, v1  }
0x214: {  	[tilespmem:v13+s2+$0x0] =	vst.idx.add.s32.msk $0xffff, v1  }
0x215: {  	[tilespmem:v9+s2+$0x0] =	vst.idx.add.s32.msk $0xffff, v1  }
0x216: {  	[tilespmem:v8+s2+$0x0] =	vst.idx.add.s32.msk $0xffff, v1  }
.Ltmp9:
0x217: {  	[tilespmem:v7+s2+$0x0] =	vst.idx.add.s32.msk $0xffff, v1;
	(pc) =	sbr.rel @p1 .LBB2_16-.Ltmp9, $4  }
0x218: {  	[tilespmem:v6+s2+$0x0] =	vst.idx.add.s32.msk $0xffff, v1  }
0x219: {  	[tilespmem:v3+s2+$0x0] =	vst.idx.add.s32.msk $0xffff, v1  }
0x21a: {  	[tilespmem:v4+s2+$0x0] =	vst.idx.add.s32.msk $0xffff, v1  }
0x21b: {  	[tilespmem:v5+s2+$0x0] =	vst.idx.add.s32.msk $0xffff, v1  }
0x21c: {  	_ =	sdelay $0x3  }
0x21d: {  	[tilespmem:v2+s2+$0x0] =	vst.idx.add.s32.msk $0xffff, v1  }
0x21e: {  	_ =	swait.ge [sflag:s19], $0x4000  }
0x21f: {  	[sflag:s19] =	ssyncset.done $0x0  }
0x220: {  	s23 =	simm.s32 $0x18080;
	[sflag:s19] =	ssyncadd.s32 $0xFFFFC000  }
0x221: {  	v3 =	vld [tilespmem:s23+$0x30]  }
0x222: {  	v4 =	vld [tilespmem:s23+$0x40]  }
0x223: {  	v2 =	vld [tilespmem:s23+$0xFFFFFF80]  }
0x224: {  	v5 =	vld [tilespmem:s23+$0x70]  }
0x225: {  	v6 =	vld [tilespmem:s23+$0xFFFFFFD0]  }
0x226: {  	v7 =	vld [tilespmem:s23+$0xFFFFFFE0]  }
0x227: {  	v8 =	vld [tilespmem:s23+$0xFFFFFFF0]  }
0x228: {  	v9 =	vld [tilespmem:s23+$0x0]  }
0x229: {  	v10 =	vld [tilespmem:s23+$0x60]  }
0x22a: {  	v11 =	vld [tilespmem:s23+$0x50]  }
0x22b: {  	v62 =	vld [tilespmem:s23+$0xFFFFFFA0]  }
0x22c: {  	v12 =	vld [tilespmem:s23+$0x20]  }
0x22d: {  	v13 =	vld [tilespmem:s23+$0x10]  }
0x22e: {  	v63 =	vld [tilespmem:s23+$0xFFFFFFB0]  }
0x22f: {  	[tilespmem:v2+s2+$0x0] =	vst.idx.add.s32.msk $0xffff, v1  }
0x230: {  	[tilespmem:v5+s2+$0x0] =	vst.idx.add.s32.msk $0xffff, v1  }
0x231: {  	v2 =	vld [tilespmem:s23+$0xFFFFFF90]  }
0x232: {  	[tilespmem:v10+s2+$0x0] =	vst.idx.add.s32.msk $0xffff, v1  }
0x233: {  	[tilespmem:v11+s2+$0x0] =	vst.idx.add.s32.msk $0xffff, v1  }
0x234: {  	[tilespmem:v4+s2+$0x0] =	vst.idx.add.s32.msk $0xffff, v1  }
0x235: {  	[tilespmem:v3+s2+$0x0] =	vst.idx.add.s32.msk $0xffff, v1  }
0x236: {  	v3 =	vld [tilespmem:s23+$0xFFFFFFC0]  }
0x237: {  	[tilespmem:v12+s2+$0x0] =	vst.idx.add.s32.msk $0xffff, v1  }
0x238: {  	[tilespmem:v13+s2+$0x0] =	vst.idx.add.s32.msk $0xffff, v1  }
0x239: {  	[tilespmem:v9+s2+$0x0] =	vst.idx.add.s32.msk $0xffff, v1  }
0x23a: {  	[tilespmem:v8+s2+$0x0] =	vst.idx.add.s32.msk $0xffff, v1  }
0x23b: {  	[tilespmem:v7+s2+$0x0] =	vst.idx.add.s32.msk $0xffff, v1  }
0x23c: {  	[tilespmem:v6+s2+$0x0] =	vst.idx.add.s32.msk $0xffff, v1  }
0x23d: {  	[tilespmem:v63+s2+$0x0] =	vst.idx.add.s32.msk $0xffff, v1  }
0x23e: {  	[tilespmem:v62+s2+$0x0] =	vst.idx.add.s32.msk $0xffff, v1  }
0x23f: {  	s24 =	simm.s32 $0x0;
	[tilespmem:v3+s2+$0x0] =	vst.idx.add.s32.msk $0xffff, v1  }
.LBB2_18:
0x240: {  	s24 =	sadd.s32 $0x10, s24;
	[tilespmem:v2+s2+$0x0] =	vst.idx.add.s32.msk $0xffff, v1;
	s23 =	sadd.s32 $0x100, s23  }
0x241: {  	v3 =	vld [tilespmem:s23+$0x30];
	p1 =	slt.u32 s24, $0x3F0  }
0x242: {  	v4 =	vld [tilespmem:s23+$0x40]  }
0x243: {  	v2 =	vld [tilespmem:s23+$0xFFFFFF80]  }
0x244: {  	v5 =	vld [tilespmem:s23+$0x70]  }
0x245: {  	v6 =	vld [tilespmem:s23+$0xFFFFFFD0]  }
0x246: {  	v7 =	vld [tilespmem:s23+$0xFFFFFFE0]  }
0x247: {  	v8 =	vld [tilespmem:s23+$0xFFFFFFF0]  }
0x248: {  	v9 =	vld [tilespmem:s23+$0x0]  }
0x249: {  	v10 =	vld [tilespmem:s23+$0x60]  }
0x24a: {  	v11 =	vld [tilespmem:s23+$0x50]  }
0x24b: {  	[tilespmem:v2+s2+$0x0] =	vst.idx.add.s32.msk $0xffff, v1  }
0x24c: {  	[tilespmem:v5+s2+$0x0] =	vst.idx.add.s32.msk $0xffff, v1  }
0x24d: {  	v2 =	vld [tilespmem:s23+$0xFFFFFF90]  }
0x24e: {  	v5 =	vld [tilespmem:s23+$0xFFFFFFA0]  }
0x24f: {  	v12 =	vld [tilespmem:s23+$0x20]  }
0x250: {  	v13 =	vld [tilespmem:s23+$0x10]  }
0x251: {  	[tilespmem:v10+s2+$0x0] =	vst.idx.add.s32.msk $0xffff, v1  }
0x252: {  	[tilespmem:v11+s2+$0x0] =	vst.idx.add.s32.msk $0xffff, v1  }
0x253: {  	[tilespmem:v4+s2+$0x0] =	vst.idx.add.s32.msk $0xffff, v1  }
0x254: {  	[tilespmem:v3+s2+$0x0] =	vst.idx.add.s32.msk $0xffff, v1  }
0x255: {  	v3 =	vld [tilespmem:s23+$0xFFFFFFC0]  }
0x256: {  	v4 =	vld [tilespmem:s23+$0xFFFFFFB0]  }
0x257: {  	[tilespmem:v12+s2+$0x0] =	vst.idx.add.s32.msk $0xffff, v1  }
0x258: {  	[tilespmem:v13+s2+$0x0] =	vst.idx.add.s32.msk $0xffff, v1  }
0x259: {  	[tilespmem:v9+s2+$0x0] =	vst.idx.add.s32.msk $0xffff, v1  }
0x25a: {  	[tilespmem:v8+s2+$0x0] =	vst.idx.add.s32.msk $0xffff, v1  }
.Ltmp10:
0x25b: {  	[tilespmem:v7+s2+$0x0] =	vst.idx.add.s32.msk $0xffff, v1;
	(pc) =	sbr.rel @p1 .LBB2_18-.Ltmp10, $4  }
0x25c: {  	[tilespmem:v6+s2+$0x0] =	vst.idx.add.s32.msk $0xffff, v1  }
0x25d: {  	[tilespmem:v3+s2+$0x0] =	vst.idx.add.s32.msk $0xffff, v1  }
0x25e: {  	[tilespmem:v4+s2+$0x0] =	vst.idx.add.s32.msk $0xffff, v1  }
0x25f: {  	[tilespmem:v5+s2+$0x0] =	vst.idx.add.s32.msk $0xffff, v1  }
.Ltmp11:
0x260: {  	_ = 	snop;
	(pc) =	sbr.rel @!p0 .LBB2_20-.Ltmp11, $2  }
0x261: {  	_ =	sdelay $0x2  }
0x262: {  	[tilespmem:v2+s2+$0x0] =	vst.idx.add.s32.msk $0xffff, v1  }
0x263: {  	[bflag:$0x0] =	sbarrier.arrive $0xFFFF  }
0x264: {  	[tilespmem:s20], [sflag:$0x3] =	stream.strided.gather [spmem:s11], $0x8000, s15, s14, $0x38;
	[tilespmem:$0x1C000] =	vst v63  }
0x265: {  	_ =	swait.ge [sflag:s21], $0x8000  }
0x266: {  	[sflag:s21] =	ssyncset.done $0x0  }
0x267: {  	s23 =	simm.s32 $0x40;
	[sflag:s21] =	ssyncadd.s32 $0xFFFF8000  }
0x268: {  	s24 =	simm.s32 $0x8040;
	v3 =	vld [tilespmem:s23+$0x30]  }
0x269: {  	v4 =	vld [tilespmem:s24+$0x30]  }
0x26a: {  	v2 =	vld [tilespmem:s24+$0xFFFFFFC0]  }
0x26b: {  	v5 =	vld [tilespmem:s23+$0xFFFFFFD0]  }
0x26c: {  	v6 =	vld [tilespmem:s24+$0xFFFFFFD0]  }
0x26d: {  	v7 =	vld [tilespmem:s23+$0xFFFFFFE0]  }
0x26e: {  	v8 =	vld [tilespmem:s24+$0xFFFFFFE0]  }
0x26f: {  	v9 =	vld [tilespmem:s23+$0xFFFFFFF0]  }
0x270: {  	v10 =	vld [tilespmem:s24+$0xFFFFFFF0]  }
0x271: {  	v11 =	vld [tilespmem:s23+$0x0]  }
0x272: {  	v12 =	vld [tilespmem:s24+$0x0]  }
0x273: {  	v4 =	vadd.s32 v3, v4;
	v3 =	vld [tilespmem:s23+$0x10]  }
0x274: {  	[tilespmem:s23+$0x30] =	vst v4;
	v4 =	vadd.s32 v5, v6;
	v5 =	vld [tilespmem:s24+$0x10]  }
0x275: {  	v6 =	vadd.s32 v7, v8;
	[tilespmem:s23+$0xFFFFFFD0] =	vst v4;
	v4 =	vld [tilespmem:s23+$0x20]  }
0x276: {  	v7 =	vadd.s32 v9, v10;
	[tilespmem:s23+$0xFFFFFFE0] =	vst v6;
	v6 =	vld [tilespmem:s24+$0x20]  }
0x277: {  	s25 =	simm.s32 $0x0;
	s26 =	simm.s32 $0xC0;
	v8 =	vadd.s32 v11, v12;
	[tilespmem:s23+$0xFFFFFFF0] =	vst v7;
	v7 =	vld [tilespmem:s23+$0xFFFFFFC0]  }
.LBB2_22:
0x278: {  	v9 =	vld [tilespmem:s26+$0x30];
	[tilespmem:s23+$0x0] =	vst v8;
	s24 =	sadd.s32 $0x80, s24  }
0x279: {  	s25 =	sadd.s32 $0x8, s25;
	v8 =	vld [tilespmem:s24+$0x30];
	v3 =	vadd.s32 v3, v5  }
0x27a: {  	p1 =	slt.u32 s25, $0x7F8;
	v5 =	vld [tilespmem:s24+$0xFFFFFFC0];
	[tilespmem:s23+$0x10] =	vst v3  }
0x27b: {  	v3 =	vld [tilespmem:s26+$0xFFFFFFD0];
	v4 =	vadd.s32 v4, v6  }
0x27c: {  	v6 =	vld [tilespmem:s24+$0xFFFFFFD0];
	v2 =	vadd.s32 v7, v2;
	[tilespmem:s23+$0x20] =	vst v4  }
0x27d: {  	v4 =	vld [tilespmem:s26+$0xFFFFFFE0];
	[tilespmem:s23+$0xFFFFFFC0] =	vst v2;
	s23 =	smov.u32 s26  }
0x27e: {  	v7 =	vld [tilespmem:s24+$0xFFFFFFE0];
	v9 =	vadd.s32 v9, v8  }
0x27f: {  	v8 =	vld [tilespmem:s26+$0xFFFFFFF0];
	[tilespmem:s26+$0x30] =	vst v9;
	v2 =	vmov v5  }
0x280: {  	v9 =	vld [tilespmem:s24+$0xFFFFFFF0]  }
0x281: {  	v3 =	vadd.s32 v3, v6;
	v10 =	vld [tilespmem:s26+$0x0]  }
0x282: {  	[tilespmem:s26+$0xFFFFFFD0] =	vst v3;
	v11 =	vld [tilespmem:s24+$0x0]  }
.Ltmp12:
0x283: {  	v4 =	vadd.s32 v4, v7;
	v3 =	vld [tilespmem:s26+$0x10];
	(pc) =	sbr.rel @p1 .LBB2_22-.Ltmp12, $4  }
0x284: {  	[tilespmem:s26+$0xFFFFFFE0] =	vst v4;
	v5 =	vld [tilespmem:s24+$0x10]  }
0x285: {  	v6 =	vadd.s32 v8, v9;
	v4 =	vld [tilespmem:s26+$0x20]  }
0x286: {  	[tilespmem:s26+$0xFFFFFFF0] =	vst v6;
	v6 =	vld [tilespmem:s24+$0x20]  }
0x287: {  	s26 =	sadd.s32 $0x80, s26;
	v7 =	vld [tilespmem:s23+$0xFFFFFFC0];
	v8 =	vadd.s32 v10, v11  }
0x288: {  	_ =	sdelay $0x1  }
0x289: {  	[tilespmem:s23+$0x0] =	vst v8;
	v3 =	vadd.s32 v3, v5  }
0x28a: {  	[tilespmem:s23+$0x10] =	vst v3;
	v3 =	vadd.s32 v4, v6  }
0x28b: {  	v2 =	vadd.s32 v7, v2;
	[tilespmem:s23+$0x20] =	vst v3  }
.Ltmp13:
0x28c: {  	[tilespmem:s23+$0xFFFFFFC0] =	vst v2;
	(pc) =	sbr.rel .LBB2_24-.Ltmp13, $4  }
0x28d: {  	[hbm4b:s12+s14] =	stream.strided.scatter [tilespmem:s2], [sflag:$0x3], $0x8000, s15, s14, $0x38;
	[tilespmem:$0x1C000] =	vst v63  }
0x28e: {  	_ =	swait.ge [sflag:s21], $0x8000  }
0x28f: {  	[sflag:s21] =	ssyncset.done $0x0  }
0x290: {  	[sflag:s21] =	ssyncadd.s32 $0xFFFF8000  }
.LBB2_25:
0x291: {  	_ =	sfence.sel $0x180000  }
0x292: {  	[bflag:$0x0] =	sbarrier.arrive $0xFFFF  }
0x293: {  	p0 =	sne.s32 s0, $0x0;
	_ =	strace $0x90000047  }
0x294: {  	s0 =	sadd.s32 @!p0 $0x100000, s1;
	[bflag:$0x2] =	sbarrier.arrive $0xFFFF  }
0x295: {  	[sflag:s0] =	ssyncadd.tile.s32 @!p0 $0x1;
	_ =	shalt  }
.Lfunc_end2:
_tile_overlayer_lowered:
.L_overlay_start_2:
0x296: {  	(tag) =	ssettag $0x2  }
0x297: {  	s0 =	rddreg [dreg:$0x0];
	s2 =	stileid.u32  }
0x298: {  	s1 =	rddreg [dreg:$0x1];
	p0 =	sne.s32 s2, $0x0  }
0x299: {  	s3 =	rddreg [dreg:$0x2];
	[bflag:$0x3] =	sbarrier.arrive $0xFFFF;
	s2 =	simm.s32 @!p0 $0x1C03  }
0x29a: {  	[timem:s3], [sflag:s2] =	dma.local @!p0 [hbm:s0], s1  }
0x29b: {  	s0 =	simm.s32 @!p0 $0x3  }
0x29c: {  	_ =	swait.ge @!p0 [sflag:s0], s1  }
0x29d: {  	s1 =	ssub.s32 @!p0 $0x0, s1;
	[sflag:s0] =	ssyncset.done @!p0 $0x0  }
0x29e: {  	[sflag:s0] =	ssyncadd.s32 @!p0 s1  }
0x29f: {  	[bflag:$0x3] =	sbarrier.arrive $0xFFFF  }
0x2a0: {  	_ =	shalt  }

</sc_bundles>
